<compile_context>
chip_gen: v7x
topology: tpu7x:2x2x1
jax: 0.10.2.dev20260603
libtpu: 0.0.44.dev20260713+nightly
codegen_flags: <defaults>
</compile_context>

<pallas_src>
import jax
import jax.numpy as jnp
from jax import lax
from jax.experimental import pallas as pl
from jax.experimental.pallas import tpu as pltpu
from jax.experimental.pallas import tpu_sc as plsc

D_MODEL = 1024
SEQ = 2048
BATCH = 4
NUM_CORES = 2
NUM_SUBCORES = 16
NUM_WORKERS = NUM_CORES * NUM_SUBCORES
SEQ_PER_WORKER = SEQ // NUM_WORKERS
CHUNK = 32
NUM_CHUNKS = SEQ_PER_WORKER // CHUNK
NUM_ITEMS = NUM_CHUNKS * BATCH
LANES = 16
VECS_PER_ROW = D_MODEL // LANES


def _body(x_hbm, emb_hbm, pe_hbm, out_hbm,
          idx0, idx1, ebuf, xbuf0, xbuf1,
          gsem, isem0, isem1, osem0, osem1):
    idx = [idx0, idx1]
    xbuf = [xbuf0, xbuf1]
    isem = [isem0, isem1]
    osem = [osem0, osem1]

    wid = lax.axis_index("s") * NUM_CORES + lax.axis_index("c")
    base = wid * SEQ_PER_WORKER

    def start_gather(c):
        pltpu.sync_copy(pe_hbm.at[pl.ds(base + c * CHUNK, CHUNK)], idx[c % 2])
        return pltpu.async_copy(emb_hbm.at[idx[c % 2]], ebuf, gsem)

    def start_in(k):
        c, b = k // BATCH, k % BATCH
        return pltpu.async_copy(
            x_hbm.at[b, pl.ds(base + c * CHUNK, CHUNK)], xbuf[k % 2],
            isem[k % 2])

    g_desc = start_gather(0)
    in_desc = [None, None]
    out_desc = [None, None]
    in_desc[0] = start_in(0)

    for k in range(NUM_ITEMS):
        c, b = k // BATCH, k % BATCH
        cur = k % 2
        if k + 1 < NUM_ITEMS:
            nxt = (k + 1) % 2
            if out_desc[nxt] is not None:
                out_desc[nxt].wait()
                out_desc[nxt] = None
            in_desc[nxt] = start_in(k + 1)
        in_desc[cur].wait()
        if b == 0:
            g_desc.wait()
        xb = xbuf[cur]

        def strip_add(i, _):
            r = i // 16
            h = (i % 16) * (VECS_PER_ROW // 16)
            for o in range(VECS_PER_ROW // 16):
                plsc.addupdate(
                    xb.at[r, pl.ds((h + o) * LANES, LANES)],
                    ebuf[r, pl.ds((h + o) * LANES, LANES)],
                )
            return 0

        lax.fori_loop(0, CHUNK * 16, strip_add, 0)
        if b == BATCH - 1 and c + 1 < NUM_CHUNKS:
            g_desc = start_gather(c + 1)
        out_desc[cur] = pltpu.async_copy(
            xb, out_hbm.at[b, pl.ds(base + c * CHUNK, CHUNK)], osem[cur])

    for d in out_desc:
        if d is not None:
            d.wait()


def kernel(x, emb, pe):
    mesh = plsc.VectorSubcoreMesh(
        core_axis_name="c",
        subcore_axis_name="s",
        num_cores=NUM_CORES,
        num_subcores=NUM_SUBCORES,
    )
    run = pl.kernel(
        _body,
        out_type=jax.ShapeDtypeStruct((BATCH, SEQ, D_MODEL), jnp.float32),
        mesh=mesh,
        scratch_types=[
            pltpu.VMEM((CHUNK,), jnp.int32),
            pltpu.VMEM((CHUNK,), jnp.int32),
            pltpu.VMEM((CHUNK, D_MODEL), jnp.float32),
            pltpu.VMEM((CHUNK, D_MODEL), jnp.float32),
            pltpu.VMEM((CHUNK, D_MODEL), jnp.float32),
            pltpu.SemaphoreType.DMA,
            pltpu.SemaphoreType.DMA,
            pltpu.SemaphoreType.DMA,
            pltpu.SemaphoreType.DMA,
            pltpu.SemaphoreType.DMA,
        ],
        name="learnt_pos_enc_sc",
    )
    return run(x, emb, pe)

# --- scband reference (transcript-rebuilt; emitter-appended) ---
"""Pipeline reference for scband-learnt-positional-encoding-52493090291725 (READ-ONLY COPY).

The authoritative reference and input builder live on the scoring server;
editing this copy changes nothing except your own understanding.
"""

import jax, jax.numpy as jnp
import numpy as np

D_MODEL = 1024
LENGTH = 2048
BATCH = 4
SEQ = 2048

def setup_inputs(seed: int = 0) -> dict:
    key = jax.random.key(seed)
    k1, k2 = jax.random.split(key)
    x = jax.random.normal(k1, (BATCH, SEQ, D_MODEL), dtype=jnp.float32)
    # learned embedding table (nn.Embedding weight), standard normal init like torch default
    emb = jax.random.normal(k2, (LENGTH, D_MODEL), dtype=jnp.float32)
    # registered buffer pe = arange(length)
    pe = jnp.arange(LENGTH, dtype=jnp.int32)
    return {"x": x, "emb": emb, "pe": pe}

def reference(x, emb, pe):
    # forward: pos_emb = embedding(pe[:L]).unsqueeze(0); x = x + pos_emb; dropout(p=0) is identity
    L = x.shape[1]
    pos_emb = jnp.take(emb, pe[:L], axis=0)[None, :, :]
    return x + pos_emb

if __name__ == "__main__":
    import jax
    _d = setup_inputs()
    print(jax.jit(kernel)(*tuple(_d.values())))

</pallas_src>

<mosaic_0001>
#map = affine_map<(d0, d1) -> (0, 0, 0)>
#map1 = affine_map<(d0, d1) -> (0, 0)>
#map2 = affine_map<(d0, d1) -> (0)>
module attributes {stable_mosaic.version = 14 : i64} {
  func.func @learnt_pos_enc_sc(%arg0: i32, %arg1: i32, %arg2: memref<4x2048x1024xf32, #tpu.memory_space<hbm>>, %arg3: memref<2048x1024xf32, #tpu.memory_space<hbm>>, %arg4: memref<2048xi32, #tpu.memory_space<hbm>>, %arg5: memref<4x2048x1024xf32, #tpu.memory_space<hbm>>, %arg6: memref<32xi32, #tpu.memory_space<vmem>>, %arg7: memref<32xi32, #tpu.memory_space<vmem>>, %arg8: memref<32x1024xf32, #tpu.memory_space<vmem>>, %arg9: memref<32x1024xf32, #tpu.memory_space<vmem>>, %arg10: memref<32x1024xf32, #tpu.memory_space<vmem>>, %arg11: memref<!tpu.dma_semaphore, #tpu.memory_space<semaphore_mem>>, %arg12: memref<!tpu.dma_semaphore, #tpu.memory_space<semaphore_mem>>, %arg13: memref<!tpu.dma_semaphore, #tpu.memory_space<semaphore_mem>>, %arg14: memref<!tpu.dma_semaphore, #tpu.memory_space<semaphore_mem>>, %arg15: memref<!tpu.dma_semaphore, #tpu.memory_space<semaphore_mem>>) attributes {dimension_semantics = [#tpu.dimension_semantics<core_parallel>, #tpu.dimension_semantics<subcore_parallel>], iteration_bounds = array<i64: 2, 16>, scalar_prefetch = 0 : i64, scratch_operands = 10 : i64, tpu.core_type = #tpu.core_type<sc_vector_subcore>, window_params = [{transform_indices = #map}, {transform_indices = #map1}, {transform_indices = #map2}, {transform_indices = #map}]} {
    %mul3A = arith.constant 2 : i32
    %mul3A_0 = arith.muli %arg1, %mul3A : i32
    %add3A = arith.addi %mul3A_0, %arg0 : i32
    %mul3A_1 = arith.constant 64 : i32
    %mul3A_2 = arith.muli %add3A, %mul3A_1 : i32
    %add3A_3 = arith.constant 0 : i32
    %add3A_4 = arith.addi %mul3A_2, %add3A_3 : i32
    "tpu.region"() ({
      %run_scoped3A = tpu.sem_alloc : memref<!tpu.dma_semaphore, #tpu.memory_space<semaphore_mem>>
      %dma_start3A_328 = tpu.memref_slice %arg4[%add3A_4] : memref<2048xi32, #tpu.memory_space<hbm>> -> memref<32xi32, #tpu.memory_space<hbm>>
      %dma_start3A_329 = tpu.memref_slice %arg4[%add3A_4] : memref<2048xi32, #tpu.memory_space<hbm>> -> memref<32xi32, #tpu.memory_space<hbm>>
      tpu.enqueue_dma source(%dma_start3A_329 : memref<32xi32, #tpu.memory_space<hbm>>) target(%arg6 : memref<32xi32, #tpu.memory_space<vmem>>) target_semaphore(%run_scoped3A : memref<!tpu.dma_semaphore, #tpu.memory_space<semaphore_mem>>)
      %dma_wait3A_330 = tpu.memref_slice %arg4[%add3A_4] : memref<2048xi32, #tpu.memory_space<hbm>> -> memref<32xi32, #tpu.memory_space<hbm>>
      %dma_wait3A_331 = tpu.memref_slice %arg4[%add3A_4] : memref<2048xi32, #tpu.memory_space<hbm>> -> memref<32xi32, #tpu.memory_space<hbm>>
      tpu.wait_dma2 semaphore(%run_scoped3A : memref<!tpu.dma_semaphore, #tpu.memory_space<semaphore_mem>>) src(%dma_wait3A_331 : memref<32xi32, #tpu.memory_space<hbm>>) dst(%arg6 : memref<32xi32, #tpu.memory_space<vmem>>)
      tpu.yield
    }) : () -> ()
    %dma_start3A = arith.constant 0 : i32
    %dma_start3A_5 = arith.constant 0 : i32
    %dma_start3A_6 = tpu.memref_slice %arg3[%dma_start3A, %dma_start3A_5] : memref<2048x1024xf32, #tpu.memory_space<hbm>> -> memref<2048x1024xf32, #tpu.memory_space<hbm>>
    tpu.enqueue_indirect_dma source(%dma_start3A_6 : memref<2048x1024xf32, #tpu.memory_space<hbm>>) target(%arg8 : memref<32x1024xf32, #tpu.memory_space<vmem>>) offsets(%arg6 : memref<32xi32, #tpu.memory_space<vmem>>) semaphore(%arg11 : memref<!tpu.dma_semaphore, #tpu.memory_space<semaphore_mem>>)
    %add3A_7 = arith.constant 0 : i32
    %add3A_8 = arith.addi %mul3A_2, %add3A_7 : i32
    %dma_start3A_9 = arith.constant 0 : i32
    %dma_start3A_10 = arith.constant 0 : i32
    %dma_start3A_11 = tpu.memref_slice %arg2[%dma_start3A_9, %add3A_8, %dma_start3A_10] : memref<4x2048x1024xf32, #tpu.memory_space<hbm>> -> memref<1x32x1024xf32, #tpu.memory_space<hbm>>
    %dma_start3A_12 = tpu.memref_squeeze %dma_start3A_11 : memref<1x32x1024xf32, #tpu.memory_space<hbm>> -> memref<32x1024xf32, #tpu.memory_space<hbm>>
    %dma_start3A_13 = arith.constant 0 : i32
    %dma_start3A_14 = tpu.memref_slice %arg2[%dma_start3A_9, %add3A_8, %dma_start3A_13] : memref<4x2048x1024xf32, #tpu.memory_space<hbm>> -> memref<1x32x1024xf32, #tpu.memory_space<hbm>>
    %dma_start3A_15 = tpu.memref_squeeze %dma_start3A_14 : memref<1x32x1024xf32, #tpu.memory_space<hbm>> -> memref<32x1024xf32, #tpu.memory_space<hbm>>
    tpu.enqueue_dma source(%dma_start3A_15 : memref<32x1024xf32, #tpu.memory_space<hbm>>) target(%arg9 : memref<32x1024xf32, #tpu.memory_space<vmem>>) target_semaphore(%arg12 : memref<!tpu.dma_semaphore, #tpu.memory_space<semaphore_mem>>)
    %add3A_16 = arith.constant 0 : i32
    %add3A_17 = arith.addi %mul3A_2, %add3A_16 : i32
    %dma_start3A_18 = arith.constant 1 : i32
    %dma_start3A_19 = arith.constant 0 : i32
    %dma_start3A_20 = tpu.memref_slice %arg2[%dma_start3A_18, %add3A_17, %dma_start3A_19] : memref<4x2048x1024xf32, #tpu.memory_space<hbm>> -> memref<1x32x1024xf32, #tpu.memory_space<hbm>>
    %dma_start3A_21 = tpu.memref_squeeze %dma_start3A_20 : memref<1x32x1024xf32, #tpu.memory_space<hbm>> -> memref<32x1024xf32, #tpu.memory_space<hbm>>
    %dma_start3A_22 = arith.constant 0 : i32
    %dma_start3A_23 = tpu.memref_slice %arg2[%dma_start3A_18, %add3A_17, %dma_start3A_22] : memref<4x2048x1024xf32, #tpu.memory_space<hbm>> -> memref<1x32x1024xf32, #tpu.memory_space<hbm>>
    %dma_start3A_24 = tpu.memref_squeeze %dma_start3A_23 : memref<1x32x1024xf32, #tpu.memory_space<hbm>> -> memref<32x1024xf32, #tpu.memory_space<hbm>>
    tpu.enqueue_dma source(%dma_start3A_24 : memref<32x1024xf32, #tpu.memory_space<hbm>>) target(%arg10 : memref<32x1024xf32, #tpu.memory_space<vmem>>) target_semaphore(%arg13 : memref<!tpu.dma_semaphore, #tpu.memory_space<semaphore_mem>>)
    %dma_wait3A = arith.constant 0 : i32
    %dma_wait3A_25 = arith.constant 0 : i32
    %dma_wait3A_26 = tpu.memref_slice %arg2[%dma_wait3A, %add3A_8, %dma_wait3A_25] : memref<4x2048x1024xf32, #tpu.memory_space<hbm>> -> memref<1x32x1024xf32, #tpu.memory_space<hbm>>
    %dma_wait3A_27 = tpu.memref_squeeze %dma_wait3A_26 : memref<1x32x1024xf32, #tpu.memory_space<hbm>> -> memref<32x1024xf32, #tpu.memory_space<hbm>>
    %dma_wait3A_28 = arith.constant 0 : i32
    %dma_wait3A_29 = tpu.memref_slice %arg2[%dma_wait3A, %add3A_8, %dma_wait3A_28] : memref<4x2048x1024xf32, #tpu.memory_space<hbm>> -> memref<1x32x1024xf32, #tpu.memory_space<hbm>>
    %dma_wait3A_30 = tpu.memref_squeeze %dma_wait3A_29 : memref<1x32x1024xf32, #tpu.memory_space<hbm>> -> memref<32x1024xf32, #tpu.memory_space<hbm>>
    tpu.wait_dma2 semaphore(%arg12 : memref<!tpu.dma_semaphore, #tpu.memory_space<semaphore_mem>>) src(%dma_wait3A_30 : memref<32x1024xf32, #tpu.memory_space<hbm>>) dst(%arg9 : memref<32x1024xf32, #tpu.memory_space<vmem>>)
    %dma_wait3A_31 = arith.constant 0 : i32
    %dma_wait3A_32 = arith.constant 0 : i32
    %dma_wait3A_33 = tpu.memref_slice %arg3[%dma_wait3A_31, %dma_wait3A_32] : memref<2048x1024xf32, #tpu.memory_space<hbm>> -> memref<2048x1024xf32, #tpu.memory_space<hbm>>
    tpu.wait_indirect_dma semaphore(%arg11 : memref<!tpu.dma_semaphore, #tpu.memory_space<semaphore_mem>>) src(%dma_wait3A_33 : memref<2048x1024xf32, #tpu.memory_space<hbm>>) dst(%arg8 : memref<32x1024xf32, #tpu.memory_space<vmem>>)
    %scan3A = arith.constant 0 : i32
    %scan3A_34 = arith.constant 0 : i32
    %scan3A_35 = arith.constant 512 : i32
    %scan3A_36 = arith.addi %scan3A_34, %scan3A_35 : i32
    %scan3A_37 = arith.constant 1 : i32
    %scan3A_38 = scf.for %scan3A_328 = %scan3A_34 to %scan3A_36 step %scan3A_37 iter_args(%scan3A_329 = %scan3A) -> (i32)  : i32 {
      %jit3A = arith.constant 16 : i32
      %div3A = arith.divsi %scan3A_328, %jit3A : i32
      %sign3A = arith.constant 0 : i32
      %sign3A_330 = arith.cmpi sgt, %scan3A_328, %sign3A : i32
      %sign3A_331 = arith.extui %sign3A_330 : i1 to i32
      %sign3A_332 = arith.constant 0 : i32
      %sign3A_333 = arith.cmpi slt, %scan3A_328, %sign3A_332 : i32
      %sign3A_334 = arith.extui %sign3A_333 : i1 to i32
      %sign3A_335 = arith.subi %sign3A_331, %sign3A_334 : i32
      %sign3A_336 = arith.constant 0 : i32
      %sign3A_337 = arith.cmpi sgt, %jit3A, %sign3A_336 : i32
      %sign3A_338 = arith.extui %sign3A_337 : i1 to i32
      %sign3A_339 = arith.constant 0 : i32
      %sign3A_340 = arith.cmpi slt, %jit3A, %sign3A_339 : i32
      %sign3A_341 = arith.extui %sign3A_340 : i1 to i32
      %sign3A_342 = arith.subi %sign3A_338, %sign3A_341 : i32
      %ne3A = arith.cmpi ne, %sign3A_335, %sign3A_342 : i32
      %rem3A = arith.remsi %scan3A_328, %jit3A : i32
      %ne3A_343 = arith.constant 0 : i32
      %ne3A_344 = arith.cmpi ne, %rem3A, %ne3A_343 : i32
      %and3A = arith.andi %ne3A, %ne3A_344 : i1
      %sub3A = arith.constant 1 : i32
      %sub3A_345 = arith.subi %div3A, %sub3A : i32
      %select_n3A = arith.select %and3A, %sub3A_345, %div3A : i32
      %jit3A_346 = arith.constant 16 : i32
      %eq3A = arith.constant 0 : i32
      %eq3A_347 = arith.cmpi eq, %jit3A_346, %eq3A : i32
      %jit3A_348 = arith.constant 1 : i32
      %select_n3A_349 = arith.select %eq3A_347, %jit3A_348, %jit3A_346 : i32
      %rem3A_350 = arith.remsi %scan3A_328, %select_n3A_349 : i32
      %ne3A_351 = arith.constant 0 : i32
      %ne3A_352 = arith.cmpi ne, %rem3A_350, %ne3A_351 : i32
      %lt3A = arith.constant 0 : i32
      %lt3A_353 = arith.cmpi slt, %rem3A_350, %lt3A : i32
      %lt3A_354 = arith.constant 0 : i32
      %lt3A_355 = arith.cmpi slt, %select_n3A_349, %lt3A_354 : i32
      %ne3A_356 = arith.xori %lt3A_353, %lt3A_355 : i1
      %and3A_357 = arith.andi %ne3A_356, %ne3A_352 : i1
      %add3A_358 = arith.addi %rem3A_350, %select_n3A_349 : i32
      %select_n3A_359 = arith.select %and3A_357, %add3A_358, %rem3A_350 : i32
      %mul3A_360 = arith.constant 4 : i32
      %mul3A_361 = arith.muli %select_n3A_359, %mul3A_360 : i32
      %add3A_362 = arith.constant 0 : i32
      %add3A_363 = arith.addi %mul3A_361, %add3A_362 : i32
      %mul3A_364 = arith.constant 16 : i32
      %mul3A_365 = arith.muli %add3A_363, %mul3A_364 : i32
      %add3A_366 = arith.constant 0 : i32
      %add3A_367 = arith.addi %mul3A_361, %add3A_366 : i32
      %mul3A_368 = arith.constant 16 : i32
      %mul3A_369 = arith.muli %add3A_367, %mul3A_368 : i32
      %get3A = arith.index_cast %select_n3A : i32 to index
      %get3A_370 = arith.index_cast %mul3A_369 : i32 to index
      %get3A_371 = tpu.vector_load %arg8[%get3A, %get3A_370] {strides = array<i32>} : memref<32x1024xf32, #tpu.memory_space<vmem>>, vector<1x16xf32>,
      %get3A_372 = vector.shape_cast %get3A_371 : vector<1x16xf32> to vector<16xf32>
      %swap3A = arith.index_cast %select_n3A : i32 to index
      %swap3A_373 = arith.index_cast %mul3A_365 : i32 to index
      %swap3A_374 = tpu.vector_load %arg9[%swap3A, %swap3A_373] {strides = array<i32>} : memref<32x1024xf32, #tpu.memory_space<vmem>>, vector<1x16xf32>,
      %swap3A_375 = vector.shape_cast %swap3A_374 : vector<1x16xf32> to vector<16xf32>
      %swap3A_376 = vector.shape_cast %get3A_372 : vector<16xf32> to vector<1x16xf32>
      tpu.vector_store %arg9[%swap3A, %swap3A_373], %swap3A_376 {add = true, strides = array<i32>} : memref<32x1024xf32, #tpu.memory_space<vmem>>, vector<1x16xf32>,
      %add3A_377 = arith.constant 1 : i32
      %add3A_378 = arith.addi %mul3A_361, %add3A_377 : i32
      %mul3A_379 = arith.constant 16 : i32
      %mul3A_380 = arith.muli %add3A_378, %mul3A_379 : i32
      %add3A_381 = arith.constant 1 : i32
      %add3A_382 = arith.addi %mul3A_361, %add3A_381 : i32
      %mul3A_383 = arith.constant 16 : i32
      %mul3A_384 = arith.muli %add3A_382, %mul3A_383 : i32
      %get3A_385 = arith.index_cast %select_n3A : i32 to index
      %get3A_386 = arith.index_cast %mul3A_384 : i32 to index
      %get3A_387 = tpu.vector_load %arg8[%get3A_385, %get3A_386] {strides = array<i32>} : memref<32x1024xf32, #tpu.memory_space<vmem>>, vector<1x16xf32>,
      %get3A_388 = vector.shape_cast %get3A_387 : vector<1x16xf32> to vector<16xf32>
      %swap3A_389 = arith.index_cast %select_n3A : i32 to index
      %swap3A_390 = arith.index_cast %mul3A_380 : i32 to index
      %swap3A_391 = tpu.vector_load %arg9[%swap3A_389, %swap3A_390] {strides = array<i32>} : memref<32x1024xf32, #tpu.memory_space<vmem>>, vector<1x16xf32>,
      %swap3A_392 = vector.shape_cast %swap3A_391 : vector<1x16xf32> to vector<16xf32>
      %swap3A_393 = vector.shape_cast %get3A_388 : vector<16xf32> to vector<1x16xf32>
      tpu.vector_store %arg9[%swap3A_389, %swap3A_390], %swap3A_393 {add = true, strides = array<i32>} : memref<32x1024xf32, #tpu.memory_space<vmem>>, vector<1x16xf32>,
      %add3A_394 = arith.constant 2 : i32
      %add3A_395 = arith.addi %mul3A_361, %add3A_394 : i32
      %mul3A_396 = arith.constant 16 : i32
      %mul3A_397 = arith.muli %add3A_395, %mul3A_396 : i32
      %add3A_398 = arith.constant 2 : i32
      %add3A_399 = arith.addi %mul3A_361, %add3A_398 : i32
      %mul3A_400 = arith.constant 16 : i32
      %mul3A_401 = arith.muli %add3A_399, %mul3A_400 : i32
      %get3A_402 = arith.index_cast %select_n3A : i32 to index
      %get3A_403 = arith.index_cast %mul3A_401 : i32 to index
      %get3A_404 = tpu.vector_load %arg8[%get3A_402, %get3A_403] {strides = array<i32>} : memref<32x1024xf32, #tpu.memory_space<vmem>>, vector<1x16xf32>,
      %get3A_405 = vector.shape_cast %get3A_404 : vector<1x16xf32> to vector<16xf32>
      %swap3A_406 = arith.index_cast %select_n3A : i32 to index
      %swap3A_407 = arith.index_cast %mul3A_397 : i32 to index
      %swap3A_408 = tpu.vector_load %arg9[%swap3A_406, %swap3A_407] {strides = array<i32>} : memref<32x1024xf32, #tpu.memory_space<vmem>>, vector<1x16xf32>,
      %swap3A_409 = vector.shape_cast %swap3A_408 : vector<1x16xf32> to vector<16xf32>
      %swap3A_410 = vector.shape_cast %get3A_405 : vector<16xf32> to vector<1x16xf32>
      tpu.vector_store %arg9[%swap3A_406, %swap3A_407], %swap3A_410 {add = true, strides = array<i32>} : memref<32x1024xf32, #tpu.memory_space<vmem>>, vector<1x16xf32>,
      %add3A_411 = arith.constant 3 : i32
      %add3A_412 = arith.addi %mul3A_361, %add3A_411 : i32
      %mul3A_413 = arith.constant 16 : i32
      %mul3A_414 = arith.muli %add3A_412, %mul3A_413 : i32
      %add3A_415 = arith.constant 3 : i32
      %add3A_416 = arith.addi %mul3A_361, %add3A_415 : i32
      %mul3A_417 = arith.constant 16 : i32
      %mul3A_418 = arith.muli %add3A_416, %mul3A_417 : i32
      %get3A_419 = arith.index_cast %select_n3A : i32 to index
      %get3A_420 = arith.index_cast %mul3A_418 : i32 to index
      %get3A_421 = tpu.vector_load %arg8[%get3A_419, %get3A_420] {strides = array<i32>} : memref<32x1024xf32, #tpu.memory_space<vmem>>, vector<1x16xf32>,
      %get3A_422 = vector.shape_cast %get3A_421 : vector<1x16xf32> to vector<16xf32>
      %swap3A_423 = arith.index_cast %select_n3A : i32 to index
      %swap3A_424 = arith.index_cast %mul3A_414 : i32 to index
      %swap3A_425 = tpu.vector_load %arg9[%swap3A_423, %swap3A_424] {strides = array<i32>} : memref<32x1024xf32, #tpu.memory_space<vmem>>, vector<1x16xf32>,
      %swap3A_426 = vector.shape_cast %swap3A_425 : vector<1x16xf32> to vector<16xf32>
      %swap3A_427 = vector.shape_cast %get3A_422 : vector<16xf32> to vector<1x16xf32>
      tpu.vector_store %arg9[%swap3A_423, %swap3A_424], %swap3A_427 {add = true, strides = array<i32>} : memref<32x1024xf32, #tpu.memory_space<vmem>>, vector<1x16xf32>,
      %scan3A_428 = arith.constant 0 : i32
      scf.yield %scan3A_428 : i32
    }
    %scan3A_39 = arith.constant 512 : i32
    %add3A_40 = arith.constant 0 : i32
    %add3A_41 = arith.addi %mul3A_2, %add3A_40 : i32
    %dma_start3A_42 = arith.constant 0 : i32
    %dma_start3A_43 = arith.constant 0 : i32
    %dma_start3A_44 = tpu.memref_slice %arg5[%dma_start3A_42, %add3A_41, %dma_start3A_43] : memref<4x2048x1024xf32, #tpu.memory_space<hbm>> -> memref<1x32x1024xf32, #tpu.memory_space<hbm>>
    %dma_start3A_45 = tpu.memref_squeeze %dma_start3A_44 : memref<1x32x1024xf32, #tpu.memory_space<hbm>> -> memref<32x1024xf32, #tpu.memory_space<hbm>>
    %dma_start3A_46 = arith.constant 0 : i32
    %dma_start3A_47 = tpu.memref_slice %arg5[%dma_start3A_42, %add3A_41, %dma_start3A_46] : memref<4x2048x1024xf32, #tpu.memory_space<hbm>> -> memref<1x32x1024xf32, #tpu.memory_space<hbm>>
    %dma_start3A_48 = tpu.memref_squeeze %dma_start3A_47 : memref<1x32x1024xf32, #tpu.memory_space<hbm>> -> memref<32x1024xf32, #tpu.memory_space<hbm>>
    tpu.enqueue_dma source(%arg9 : memref<32x1024xf32, #tpu.memory_space<vmem>>) target(%dma_start3A_48 : memref<32x1024xf32, #tpu.memory_space<hbm>>) target_semaphore(%arg14 : memref<!tpu.dma_semaphore, #tpu.memory_space<semaphore_mem>>)
    %dma_wait3A_49 = arith.constant 0 : i32
    %dma_wait3A_50 = arith.constant 0 : i32
    %dma_wait3A_51 = tpu.memref_slice %arg5[%dma_wait3A_49, %add3A_41, %dma_wait3A_50] : memref<4x2048x1024xf32, #tpu.memory_space<hbm>> -> memref<1x32x1024xf32, #tpu.memory_space<hbm>>
    %dma_wait3A_52 = tpu.memref_squeeze %dma_wait3A_51 : memref<1x32x1024xf32, #tpu.memory_space<hbm>> -> memref<32x1024xf32, #tpu.memory_space<hbm>>
    %dma_wait3A_53 = arith.constant 0 : i32
    %dma_wait3A_54 = tpu.memref_slice %arg5[%dma_wait3A_49, %add3A_41, %dma_wait3A_53] : memref<4x2048x1024xf32, #tpu.memory_space<hbm>> -> memref<1x32x1024xf32, #tpu.memory_space<hbm>>
    %dma_wait3A_55 = tpu.memref_squeeze %dma_wait3A_54 : memref<1x32x1024xf32, #tpu.memory_space<hbm>> -> memref<32x1024xf32, #tpu.memory_space<hbm>>
    tpu.wait_dma2 semaphore(%arg14 : memref<!tpu.dma_semaphore, #tpu.memory_space<semaphore_mem>>) src(%arg9 : memref<32x1024xf32, #tpu.memory_space<vmem>>) dst(%dma_wait3A_55 : memref<32x1024xf32, #tpu.memory_space<hbm>>)
    %add3A_56 = arith.constant 0 : i32
    %add3A_57 = arith.addi %mul3A_2, %add3A_56 : i32
    %dma_start3A_58 = arith.constant 2 : i32
    %dma_start3A_59 = arith.constant 0 : i32
    %dma_start3A_60 = tpu.memref_slice %arg2[%dma_start3A_58, %add3A_57, %dma_start3A_59] : memref<4x2048x1024xf32, #tpu.memory_space<hbm>> -> memref<1x32x1024xf32, #tpu.memory_space<hbm>>
    %dma_start3A_61 = tpu.memref_squeeze %dma_start3A_60 : memref<1x32x1024xf32, #tpu.memory_space<hbm>> -> memref<32x1024xf32, #tpu.memory_space<hbm>>
    %dma_start3A_62 = arith.constant 0 : i32
    %dma_start3A_63 = tpu.memref_slice %arg2[%dma_start3A_58, %add3A_57, %dma_start3A_62] : memref<4x2048x1024xf32, #tpu.memory_space<hbm>> -> memref<1x32x1024xf32, #tpu.memory_space<hbm>>
    %dma_start3A_64 = tpu.memref_squeeze %dma_start3A_63 : memref<1x32x1024xf32, #tpu.memory_space<hbm>> -> memref<32x1024xf32, #tpu.memory_space<hbm>>
    tpu.enqueue_dma source(%dma_start3A_64 : memref<32x1024xf32, #tpu.memory_space<hbm>>) target(%arg9 : memref<32x1024xf32, #tpu.memory_space<vmem>>) target_semaphore(%arg12 : memref<!tpu.dma_semaphore, #tpu.memory_space<semaphore_mem>>)
    %dma_wait3A_65 = arith.constant 1 : i32
    %dma_wait3A_66 = arith.constant 0 : i32
    %dma_wait3A_67 = tpu.memref_slice %arg2[%dma_wait3A_65, %add3A_17, %dma_wait3A_66] : memref<4x2048x1024xf32, #tpu.memory_space<hbm>> -> memref<1x32x1024xf32, #tpu.memory_space<hbm>>
    %dma_wait3A_68 = tpu.memref_squeeze %dma_wait3A_67 : memref<1x32x1024xf32, #tpu.memory_space<hbm>> -> memref<32x1024xf32, #tpu.memory_space<hbm>>
    %dma_wait3A_69 = arith.constant 0 : i32
    %dma_wait3A_70 = tpu.memref_slice %arg2[%dma_wait3A_65, %add3A_17, %dma_wait3A_69] : memref<4x2048x1024xf32, #tpu.memory_space<hbm>> -> memref<1x32x1024xf32, #tpu.memory_space<hbm>>
    %dma_wait3A_71 = tpu.memref_squeeze %dma_wait3A_70 : memref<1x32x1024xf32, #tpu.memory_space<hbm>> -> memref<32x1024xf32, #tpu.memory_space<hbm>>
    tpu.wait_dma2 semaphore(%arg13 : memref<!tpu.dma_semaphore, #tpu.memory_space<semaphore_mem>>) src(%dma_wait3A_71 : memref<32x1024xf32, #tpu.memory_space<hbm>>) dst(%arg10 : memref<32x1024xf32, #tpu.memory_space<vmem>>)
    %scan3A_72 = arith.constant 0 : i32
    %scan3A_73 = arith.constant 0 : i32
    %scan3A_74 = arith.constant 512 : i32
    %scan3A_75 = arith.addi %scan3A_73, %scan3A_74 : i32
    %scan3A_76 = arith.constant 1 : i32
    %scan3A_77 = scf.for %scan3A_328 = %scan3A_73 to %scan3A_75 step %scan3A_76 iter_args(%scan3A_329 = %scan3A_72) -> (i32)  : i32 {
      %jit3A = arith.constant 16 : i32
      %div3A = arith.divsi %scan3A_328, %jit3A : i32
      %sign3A = arith.constant 0 : i32
      %sign3A_330 = arith.cmpi sgt, %scan3A_328, %sign3A : i32
      %sign3A_331 = arith.extui %sign3A_330 : i1 to i32
      %sign3A_332 = arith.constant 0 : i32
      %sign3A_333 = arith.cmpi slt, %scan3A_328, %sign3A_332 : i32
      %sign3A_334 = arith.extui %sign3A_333 : i1 to i32
      %sign3A_335 = arith.subi %sign3A_331, %sign3A_334 : i32
      %sign3A_336 = arith.constant 0 : i32
      %sign3A_337 = arith.cmpi sgt, %jit3A, %sign3A_336 : i32
      %sign3A_338 = arith.extui %sign3A_337 : i1 to i32
      %sign3A_339 = arith.constant 0 : i32
      %sign3A_340 = arith.cmpi slt, %jit3A, %sign3A_339 : i32
      %sign3A_341 = arith.extui %sign3A_340 : i1 to i32
      %sign3A_342 = arith.subi %sign3A_338, %sign3A_341 : i32
      %ne3A = arith.cmpi ne, %sign3A_335, %sign3A_342 : i32
      %rem3A = arith.remsi %scan3A_328, %jit3A : i32
      %ne3A_343 = arith.constant 0 : i32
      %ne3A_344 = arith.cmpi ne, %rem3A, %ne3A_343 : i32
      %and3A = arith.andi %ne3A, %ne3A_344 : i1
      %sub3A = arith.constant 1 : i32
      %sub3A_345 = arith.subi %div3A, %sub3A : i32
      %select_n3A = arith.select %and3A, %sub3A_345, %div3A : i32
      %jit3A_346 = arith.constant 16 : i32
      %eq3A = arith.constant 0 : i32
      %eq3A_347 = arith.cmpi eq, %jit3A_346, %eq3A : i32
      %jit3A_348 = arith.constant 1 : i32
      %select_n3A_349 = arith.select %eq3A_347, %jit3A_348, %jit3A_346 : i32
      %rem3A_350 = arith.remsi %scan3A_328, %select_n3A_349 : i32
      %ne3A_351 = arith.constant 0 : i32
      %ne3A_352 = arith.cmpi ne, %rem3A_350, %ne3A_351 : i32
      %lt3A = arith.constant 0 : i32
      %lt3A_353 = arith.cmpi slt, %rem3A_350, %lt3A : i32
      %lt3A_354 = arith.constant 0 : i32
      %lt3A_355 = arith.cmpi slt, %select_n3A_349, %lt3A_354 : i32
      %ne3A_356 = arith.xori %lt3A_353, %lt3A_355 : i1
      %and3A_357 = arith.andi %ne3A_356, %ne3A_352 : i1
      %add3A_358 = arith.addi %rem3A_350, %select_n3A_349 : i32
      %select_n3A_359 = arith.select %and3A_357, %add3A_358, %rem3A_350 : i32
      %mul3A_360 = arith.constant 4 : i32
      %mul3A_361 = arith.muli %select_n3A_359, %mul3A_360 : i32
      %add3A_362 = arith.constant 0 : i32
      %add3A_363 = arith.addi %mul3A_361, %add3A_362 : i32
      %mul3A_364 = arith.constant 16 : i32
      %mul3A_365 = arith.muli %add3A_363, %mul3A_364 : i32
      %add3A_366 = arith.constant 0 : i32
      %add3A_367 = arith.addi %mul3A_361, %add3A_366 : i32
      %mul3A_368 = arith.constant 16 : i32
      %mul3A_369 = arith.muli %add3A_367, %mul3A_368 : i32
      %get3A = arith.index_cast %select_n3A : i32 to index
      %get3A_370 = arith.index_cast %mul3A_369 : i32 to index
      %get3A_371 = tpu.vector_load %arg8[%get3A, %get3A_370] {strides = array<i32>} : memref<32x1024xf32, #tpu.memory_space<vmem>>, vector<1x16xf32>,
      %get3A_372 = vector.shape_cast %get3A_371 : vector<1x16xf32> to vector<16xf32>
      %swap3A = arith.index_cast %select_n3A : i32 to index
      %swap3A_373 = arith.index_cast %mul3A_365 : i32 to index
      %swap3A_374 = tpu.vector_load %arg10[%swap3A, %swap3A_373] {strides = array<i32>} : memref<32x1024xf32, #tpu.memory_space<vmem>>, vector<1x16xf32>,
      %swap3A_375 = vector.shape_cast %swap3A_374 : vector<1x16xf32> to vector<16xf32>
      %swap3A_376 = vector.shape_cast %get3A_372 : vector<16xf32> to vector<1x16xf32>
      tpu.vector_store %arg10[%swap3A, %swap3A_373], %swap3A_376 {add = true, strides = array<i32>} : memref<32x1024xf32, #tpu.memory_space<vmem>>, vector<1x16xf32>,
      %add3A_377 = arith.constant 1 : i32
      %add3A_378 = arith.addi %mul3A_361, %add3A_377 : i32
      %mul3A_379 = arith.constant 16 : i32
      %mul3A_380 = arith.muli %add3A_378, %mul3A_379 : i32
      %add3A_381 = arith.constant 1 : i32
      %add3A_382 = arith.addi %mul3A_361, %add3A_381 : i32
      %mul3A_383 = arith.constant 16 : i32
      %mul3A_384 = arith.muli %add3A_382, %mul3A_383 : i32
      %get3A_385 = arith.index_cast %select_n3A : i32 to index
      %get3A_386 = arith.index_cast %mul3A_384 : i32 to index
      %get3A_387 = tpu.vector_load %arg8[%get3A_385, %get3A_386] {strides = array<i32>} : memref<32x1024xf32, #tpu.memory_space<vmem>>, vector<1x16xf32>,
      %get3A_388 = vector.shape_cast %get3A_387 : vector<1x16xf32> to vector<16xf32>
      %swap3A_389 = arith.index_cast %select_n3A : i32 to index
      %swap3A_390 = arith.index_cast %mul3A_380 : i32 to index
      %swap3A_391 = tpu.vector_load %arg10[%swap3A_389, %swap3A_390] {strides = array<i32>} : memref<32x1024xf32, #tpu.memory_space<vmem>>, vector<1x16xf32>,
      %swap3A_392 = vector.shape_cast %swap3A_391 : vector<1x16xf32> to vector<16xf32>
      %swap3A_393 = vector.shape_cast %get3A_388 : vector<16xf32> to vector<1x16xf32>
      tpu.vector_store %arg10[%swap3A_389, %swap3A_390], %swap3A_393 {add = true, strides = array<i32>} : memref<32x1024xf32, #tpu.memory_space<vmem>>, vector<1x16xf32>,
      %add3A_394 = arith.constant 2 : i32
      %add3A_395 = arith.addi %mul3A_361, %add3A_394 : i32
      %mul3A_396 = arith.constant 16 : i32
      %mul3A_397 = arith.muli %add3A_395, %mul3A_396 : i32
      %add3A_398 = arith.constant 2 : i32
      %add3A_399 = arith.addi %mul3A_361, %add3A_398 : i32
      %mul3A_400 = arith.constant 16 : i32
      %mul3A_401 = arith.muli %add3A_399, %mul3A_400 : i32
      %get3A_402 = arith.index_cast %select_n3A : i32 to index
      %get3A_403 = arith.index_cast %mul3A_401 : i32 to index
      %get3A_404 = tpu.vector_load %arg8[%get3A_402, %get3A_403] {strides = array<i32>} : memref<32x1024xf32, #tpu.memory_space<vmem>>, vector<1x16xf32>,
      %get3A_405 = vector.shape_cast %get3A_404 : vector<1x16xf32> to vector<16xf32>
      %swap3A_406 = arith.index_cast %select_n3A : i32 to index
      %swap3A_407 = arith.index_cast %mul3A_397 : i32 to index
      %swap3A_408 = tpu.vector_load %arg10[%swap3A_406, %swap3A_407] {strides = array<i32>} : memref<32x1024xf32, #tpu.memory_space<vmem>>, vector<1x16xf32>,
      %swap3A_409 = vector.shape_cast %swap3A_408 : vector<1x16xf32> to vector<16xf32>
      %swap3A_410 = vector.shape_cast %get3A_405 : vector<16xf32> to vector<1x16xf32>
      tpu.vector_store %arg10[%swap3A_406, %swap3A_407], %swap3A_410 {add = true, strides = array<i32>} : memref<32x1024xf32, #tpu.memory_space<vmem>>, vector<1x16xf32>,
      %add3A_411 = arith.constant 3 : i32
      %add3A_412 = arith.addi %mul3A_361, %add3A_411 : i32
      %mul3A_413 = arith.constant 16 : i32
      %mul3A_414 = arith.muli %add3A_412, %mul3A_413 : i32
      %add3A_415 = arith.constant 3 : i32
      %add3A_416 = arith.addi %mul3A_361, %add3A_415 : i32
      %mul3A_417 = arith.constant 16 : i32
      %mul3A_418 = arith.muli %add3A_416, %mul3A_417 : i32
      %get3A_419 = arith.index_cast %select_n3A : i32 to index
      %get3A_420 = arith.index_cast %mul3A_418 : i32 to index
      %get3A_421 = tpu.vector_load %arg8[%get3A_419, %get3A_420] {strides = array<i32>} : memref<32x1024xf32, #tpu.memory_space<vmem>>, vector<1x16xf32>,
      %get3A_422 = vector.shape_cast %get3A_421 : vector<1x16xf32> to vector<16xf32>
      %swap3A_423 = arith.index_cast %select_n3A : i32 to index
      %swap3A_424 = arith.index_cast %mul3A_414 : i32 to index
      %swap3A_425 = tpu.vector_load %arg10[%swap3A_423, %swap3A_424] {strides = array<i32>} : memref<32x1024xf32, #tpu.memory_space<vmem>>, vector<1x16xf32>,
      %swap3A_426 = vector.shape_cast %swap3A_425 : vector<1x16xf32> to vector<16xf32>
      %swap3A_427 = vector.shape_cast %get3A_422 : vector<16xf32> to vector<1x16xf32>
      tpu.vector_store %arg10[%swap3A_423, %swap3A_424], %swap3A_427 {add = true, strides = array<i32>} : memref<32x1024xf32, #tpu.memory_space<vmem>>, vector<1x16xf32>,
      %scan3A_428 = arith.constant 0 : i32
      scf.yield %scan3A_428 : i32
    }
    %scan3A_78 = arith.constant 512 : i32
    %add3A_79 = arith.constant 0 : i32
    %add3A_80 = arith.addi %mul3A_2, %add3A_79 : i32
    %dma_start3A_81 = arith.constant 1 : i32
    %dma_start3A_82 = arith.constant 0 : i32
    %dma_start3A_83 = tpu.memref_slice %arg5[%dma_start3A_81, %add3A_80, %dma_start3A_82] : memref<4x2048x1024xf32, #tpu.memory_space<hbm>> -> memref<1x32x1024xf32, #tpu.memory_space<hbm>>
    %dma_start3A_84 = tpu.memref_squeeze %dma_start3A_83 : memref<1x32x1024xf32, #tpu.memory_space<hbm>> -> memref<32x1024xf32, #tpu.memory_space<hbm>>
    %dma_start3A_85 = arith.constant 0 : i32
    %dma_start3A_86 = tpu.memref_slice %arg5[%dma_start3A_81, %add3A_80, %dma_start3A_85] : memref<4x2048x1024xf32, #tpu.memory_space<hbm>> -> memref<1x32x1024xf32, #tpu.memory_space<hbm>>
    %dma_start3A_87 = tpu.memref_squeeze %dma_start3A_86 : memref<1x32x1024xf32, #tpu.memory_space<hbm>> -> memref<32x1024xf32, #tpu.memory_space<hbm>>
    tpu.enqueue_dma source(%arg10 : memref<32x1024xf32, #tpu.memory_space<vmem>>) target(%dma_start3A_87 : memref<32x1024xf32, #tpu.memory_space<hbm>>) target_semaphore(%arg15 : memref<!tpu.dma_semaphore, #tpu.memory_space<semaphore_mem>>)
    %dma_wait3A_88 = arith.constant 1 : i32
    %dma_wait3A_89 = arith.constant 0 : i32
    %dma_wait3A_90 = tpu.memref_slice %arg5[%dma_wait3A_88, %add3A_80, %dma_wait3A_89] : memref<4x2048x1024xf32, #tpu.memory_space<hbm>> -> memref<1x32x1024xf32, #tpu.memory_space<hbm>>
    %dma_wait3A_91 = tpu.memref_squeeze %dma_wait3A_90 : memref<1x32x1024xf32, #tpu.memory_space<hbm>> -> memref<32x1024xf32, #tpu.memory_space<hbm>>
    %dma_wait3A_92 = arith.constant 0 : i32
    %dma_wait3A_93 = tpu.memref_slice %arg5[%dma_wait3A_88, %add3A_80, %dma_wait3A_92] : memref<4x2048x1024xf32, #tpu.memory_space<hbm>> -> memref<1x32x1024xf32, #tpu.memory_space<hbm>>
    %dma_wait3A_94 = tpu.memref_squeeze %dma_wait3A_93 : memref<1x32x1024xf32, #tpu.memory_space<hbm>> -> memref<32x1024xf32, #tpu.memory_space<hbm>>
    tpu.wait_dma2 semaphore(%arg15 : memref<!tpu.dma_semaphore, #tpu.memory_space<semaphore_mem>>) src(%arg10 : memref<32x1024xf32, #tpu.memory_space<vmem>>) dst(%dma_wait3A_94 : memref<32x1024xf32, #tpu.memory_space<hbm>>)
    %add3A_95 = arith.constant 0 : i32
    %add3A_96 = arith.addi %mul3A_2, %add3A_95 : i32
    %dma_start3A_97 = arith.constant 3 : i32
    %dma_start3A_98 = arith.constant 0 : i32
    %dma_start3A_99 = tpu.memref_slice %arg2[%dma_start3A_97, %add3A_96, %dma_start3A_98] : memref<4x2048x1024xf32, #tpu.memory_space<hbm>> -> memref<1x32x1024xf32, #tpu.memory_space<hbm>>
    %dma_start3A_100 = tpu.memref_squeeze %dma_start3A_99 : memref<1x32x1024xf32, #tpu.memory_space<hbm>> -> memref<32x1024xf32, #tpu.memory_space<hbm>>
    %dma_start3A_101 = arith.constant 0 : i32
    %dma_start3A_102 = tpu.memref_slice %arg2[%dma_start3A_97, %add3A_96, %dma_start3A_101] : memref<4x2048x1024xf32, #tpu.memory_space<hbm>> -> memref<1x32x1024xf32, #tpu.memory_space<hbm>>
    %dma_start3A_103 = tpu.memref_squeeze %dma_start3A_102 : memref<1x32x1024xf32, #tpu.memory_space<hbm>> -> memref<32x1024xf32, #tpu.memory_space<hbm>>
    tpu.enqueue_dma source(%dma_start3A_103 : memref<32x1024xf32, #tpu.memory_space<hbm>>) target(%arg10 : memref<32x1024xf32, #tpu.memory_space<vmem>>) target_semaphore(%arg13 : memref<!tpu.dma_semaphore, #tpu.memory_space<semaphore_mem>>)
    %dma_wait3A_104 = arith.constant 2 : i32
    %dma_wait3A_105 = arith.constant 0 : i32
    %dma_wait3A_106 = tpu.memref_slice %arg2[%dma_wait3A_104, %add3A_57, %dma_wait3A_105] : memref<4x2048x1024xf32, #tpu.memory_space<hbm>> -> memref<1x32x1024xf32, #tpu.memory_space<hbm>>
    %dma_wait3A_107 = tpu.memref_squeeze %dma_wait3A_106 : memref<1x32x1024xf32, #tpu.memory_space<hbm>> -> memref<32x1024xf32, #tpu.memory_space<hbm>>
    %dma_wait3A_108 = arith.constant 0 : i32
    %dma_wait3A_109 = tpu.memref_slice %arg2[%dma_wait3A_104, %add3A_57, %dma_wait3A_108] : memref<4x2048x1024xf32, #tpu.memory_space<hbm>> -> memref<1x32x1024xf32, #tpu.memory_space<hbm>>
    %dma_wait3A_110 = tpu.memref_squeeze %dma_wait3A_109 : memref<1x32x1024xf32, #tpu.memory_space<hbm>> -> memref<32x1024xf32, #tpu.memory_space<hbm>>
    tpu.wait_dma2 semaphore(%arg12 : memref<!tpu.dma_semaphore, #tpu.memory_space<semaphore_mem>>) src(%dma_wait3A_110 : memref<32x1024xf32, #tpu.memory_space<hbm>>) dst(%arg9 : memref<32x1024xf32, #tpu.memory_space<vmem>>)
    %scan3A_111 = arith.constant 0 : i32
    %scan3A_112 = arith.constant 0 : i32
    %scan3A_113 = arith.constant 512 : i32
    %scan3A_114 = arith.addi %scan3A_112, %scan3A_113 : i32
    %scan3A_115 = arith.constant 1 : i32
    %scan3A_116 = scf.for %scan3A_328 = %scan3A_112 to %scan3A_114 step %scan3A_115 iter_args(%scan3A_329 = %scan3A_111) -> (i32)  : i32 {
      %jit3A = arith.constant 16 : i32
      %div3A = arith.divsi %scan3A_328, %jit3A : i32
      %sign3A = arith.constant 0 : i32
      %sign3A_330 = arith.cmpi sgt, %scan3A_328, %sign3A : i32
      %sign3A_331 = arith.extui %sign3A_330 : i1 to i32
      %sign3A_332 = arith.constant 0 : i32
      %sign3A_333 = arith.cmpi slt, %scan3A_328, %sign3A_332 : i32
      %sign3A_334 = arith.extui %sign3A_333 : i1 to i32
      %sign3A_335 = arith.subi %sign3A_331, %sign3A_334 : i32
      %sign3A_336 = arith.constant 0 : i32
      %sign3A_337 = arith.cmpi sgt, %jit3A, %sign3A_336 : i32
      %sign3A_338 = arith.extui %sign3A_337 : i1 to i32
      %sign3A_339 = arith.constant 0 : i32
      %sign3A_340 = arith.cmpi slt, %jit3A, %sign3A_339 : i32
      %sign3A_341 = arith.extui %sign3A_340 : i1 to i32
      %sign3A_342 = arith.subi %sign3A_338, %sign3A_341 : i32
      %ne3A = arith.cmpi ne, %sign3A_335, %sign3A_342 : i32
      %rem3A = arith.remsi %scan3A_328, %jit3A : i32
      %ne3A_343 = arith.constant 0 : i32
      %ne3A_344 = arith.cmpi ne, %rem3A, %ne3A_343 : i32
      %and3A = arith.andi %ne3A, %ne3A_344 : i1
      %sub3A = arith.constant 1 : i32
      %sub3A_345 = arith.subi %div3A, %sub3A : i32
      %select_n3A = arith.select %and3A, %sub3A_345, %div3A : i32
      %jit3A_346 = arith.constant 16 : i32
      %eq3A = arith.constant 0 : i32
      %eq3A_347 = arith.cmpi eq, %jit3A_346, %eq3A : i32
      %jit3A_348 = arith.constant 1 : i32
      %select_n3A_349 = arith.select %eq3A_347, %jit3A_348, %jit3A_346 : i32
      %rem3A_350 = arith.remsi %scan3A_328, %select_n3A_349 : i32
      %ne3A_351 = arith.constant 0 : i32
      %ne3A_352 = arith.cmpi ne, %rem3A_350, %ne3A_351 : i32
      %lt3A = arith.constant 0 : i32
      %lt3A_353 = arith.cmpi slt, %rem3A_350, %lt3A : i32
      %lt3A_354 = arith.constant 0 : i32
      %lt3A_355 = arith.cmpi slt, %select_n3A_349, %lt3A_354 : i32
      %ne3A_356 = arith.xori %lt3A_353, %lt3A_355 : i1
      %and3A_357 = arith.andi %ne3A_356, %ne3A_352 : i1
      %add3A_358 = arith.addi %rem3A_350, %select_n3A_349 : i32
      %select_n3A_359 = arith.select %and3A_357, %add3A_358, %rem3A_350 : i32
      %mul3A_360 = arith.constant 4 : i32
      %mul3A_361 = arith.muli %select_n3A_359, %mul3A_360 : i32
      %add3A_362 = arith.constant 0 : i32
      %add3A_363 = arith.addi %mul3A_361, %add3A_362 : i32
      %mul3A_364 = arith.constant 16 : i32
      %mul3A_365 = arith.muli %add3A_363, %mul3A_364 : i32
      %add3A_366 = arith.constant 0 : i32
      %add3A_367 = arith.addi %mul3A_361, %add3A_366 : i32
      %mul3A_368 = arith.constant 16 : i32
      %mul3A_369 = arith.muli %add3A_367, %mul3A_368 : i32
      %get3A = arith.index_cast %select_n3A : i32 to index
      %get3A_370 = arith.index_cast %mul3A_369 : i32 to index
      %get3A_371 = tpu.vector_load %arg8[%get3A, %get3A_370] {strides = array<i32>} : memref<32x1024xf32, #tpu.memory_space<vmem>>, vector<1x16xf32>,
      %get3A_372 = vector.shape_cast %get3A_371 : vector<1x16xf32> to vector<16xf32>
      %swap3A = arith.index_cast %select_n3A : i32 to index
      %swap3A_373 = arith.index_cast %mul3A_365 : i32 to index
      %swap3A_374 = tpu.vector_load %arg9[%swap3A, %swap3A_373] {strides = array<i32>} : memref<32x1024xf32, #tpu.memory_space<vmem>>, vector<1x16xf32>,
      %swap3A_375 = vector.shape_cast %swap3A_374 : vector<1x16xf32> to vector<16xf32>
      %swap3A_376 = vector.shape_cast %get3A_372 : vector<16xf32> to vector<1x16xf32>
      tpu.vector_store %arg9[%swap3A, %swap3A_373], %swap3A_376 {add = true, strides = array<i32>} : memref<32x1024xf32, #tpu.memory_space<vmem>>, vector<1x16xf32>,
      %add3A_377 = arith.constant 1 : i32
      %add3A_378 = arith.addi %mul3A_361, %add3A_377 : i32
      %mul3A_379 = arith.constant 16 : i32
      %mul3A_380 = arith.muli %add3A_378, %mul3A_379 : i32
      %add3A_381 = arith.constant 1 : i32
      %add3A_382 = arith.addi %mul3A_361, %add3A_381 : i32
      %mul3A_383 = arith.constant 16 : i32
      %mul3A_384 = arith.muli %add3A_382, %mul3A_383 : i32
      %get3A_385 = arith.index_cast %select_n3A : i32 to index
      %get3A_386 = arith.index_cast %mul3A_384 : i32 to index
      %get3A_387 = tpu.vector_load %arg8[%get3A_385, %get3A_386] {strides = array<i32>} : memref<32x1024xf32, #tpu.memory_space<vmem>>, vector<1x16xf32>,
      %get3A_388 = vector.shape_cast %get3A_387 : vector<1x16xf32> to vector<16xf32>
      %swap3A_389 = arith.index_cast %select_n3A : i32 to index
      %swap3A_390 = arith.index_cast %mul3A_380 : i32 to index
      %swap3A_391 = tpu.vector_load %arg9[%swap3A_389, %swap3A_390] {strides = array<i32>} : memref<32x1024xf32, #tpu.memory_space<vmem>>, vector<1x16xf32>,
      %swap3A_392 = vector.shape_cast %swap3A_391 : vector<1x16xf32> to vector<16xf32>
      %swap3A_393 = vector.shape_cast %get3A_388 : vector<16xf32> to vector<1x16xf32>
      tpu.vector_store %arg9[%swap3A_389, %swap3A_390], %swap3A_393 {add = true, strides = array<i32>} : memref<32x1024xf32, #tpu.memory_space<vmem>>, vector<1x16xf32>,
      %add3A_394 = arith.constant 2 : i32
      %add3A_395 = arith.addi %mul3A_361, %add3A_394 : i32
      %mul3A_396 = arith.constant 16 : i32
      %mul3A_397 = arith.muli %add3A_395, %mul3A_396 : i32
      %add3A_398 = arith.constant 2 : i32
      %add3A_399 = arith.addi %mul3A_361, %add3A_398 : i32
      %mul3A_400 = arith.constant 16 : i32
      %mul3A_401 = arith.muli %add3A_399, %mul3A_400 : i32
      %get3A_402 = arith.index_cast %select_n3A : i32 to index
      %get3A_403 = arith.index_cast %mul3A_401 : i32 to index
      %get3A_404 = tpu.vector_load %arg8[%get3A_402, %get3A_403] {strides = array<i32>} : memref<32x1024xf32, #tpu.memory_space<vmem>>, vector<1x16xf32>,
      %get3A_405 = vector.shape_cast %get3A_404 : vector<1x16xf32> to vector<16xf32>
      %swap3A_406 = arith.index_cast %select_n3A : i32 to index
      %swap3A_407 = arith.index_cast %mul3A_397 : i32 to index
      %swap3A_408 = tpu.vector_load %arg9[%swap3A_406, %swap3A_407] {strides = array<i32>} : memref<32x1024xf32, #tpu.memory_space<vmem>>, vector<1x16xf32>,
      %swap3A_409 = vector.shape_cast %swap3A_408 : vector<1x16xf32> to vector<16xf32>
      %swap3A_410 = vector.shape_cast %get3A_405 : vector<16xf32> to vector<1x16xf32>
      tpu.vector_store %arg9[%swap3A_406, %swap3A_407], %swap3A_410 {add = true, strides = array<i32>} : memref<32x1024xf32, #tpu.memory_space<vmem>>, vector<1x16xf32>,
      %add3A_411 = arith.constant 3 : i32
      %add3A_412 = arith.addi %mul3A_361, %add3A_411 : i32
      %mul3A_413 = arith.constant 16 : i32
      %mul3A_414 = arith.muli %add3A_412, %mul3A_413 : i32
      %add3A_415 = arith.constant 3 : i32
      %add3A_416 = arith.addi %mul3A_361, %add3A_415 : i32
      %mul3A_417 = arith.constant 16 : i32
      %mul3A_418 = arith.muli %add3A_416, %mul3A_417 : i32
      %get3A_419 = arith.index_cast %select_n3A : i32 to index
      %get3A_420 = arith.index_cast %mul3A_418 : i32 to index
      %get3A_421 = tpu.vector_load %arg8[%get3A_419, %get3A_420] {strides = array<i32>} : memref<32x1024xf32, #tpu.memory_space<vmem>>, vector<1x16xf32>,
      %get3A_422 = vector.shape_cast %get3A_421 : vector<1x16xf32> to vector<16xf32>
      %swap3A_423 = arith.index_cast %select_n3A : i32 to index
      %swap3A_424 = arith.index_cast %mul3A_414 : i32 to index
      %swap3A_425 = tpu.vector_load %arg9[%swap3A_423, %swap3A_424] {strides = array<i32>} : memref<32x1024xf32, #tpu.memory_space<vmem>>, vector<1x16xf32>,
      %swap3A_426 = vector.shape_cast %swap3A_425 : vector<1x16xf32> to vector<16xf32>
      %swap3A_427 = vector.shape_cast %get3A_422 : vector<16xf32> to vector<1x16xf32>
      tpu.vector_store %arg9[%swap3A_423, %swap3A_424], %swap3A_427 {add = true, strides = array<i32>} : memref<32x1024xf32, #tpu.memory_space<vmem>>, vector<1x16xf32>,
      %scan3A_428 = arith.constant 0 : i32
      scf.yield %scan3A_428 : i32
    }
    %scan3A_117 = arith.constant 512 : i32
    %add3A_118 = arith.constant 0 : i32
    %add3A_119 = arith.addi %mul3A_2, %add3A_118 : i32
    %dma_start3A_120 = arith.constant 2 : i32
    %dma_start3A_121 = arith.constant 0 : i32
    %dma_start3A_122 = tpu.memref_slice %arg5[%dma_start3A_120, %add3A_119, %dma_start3A_121] : memref<4x2048x1024xf32, #tpu.memory_space<hbm>> -> memref<1x32x1024xf32, #tpu.memory_space<hbm>>
    %dma_start3A_123 = tpu.memref_squeeze %dma_start3A_122 : memref<1x32x1024xf32, #tpu.memory_space<hbm>> -> memref<32x1024xf32, #tpu.memory_space<hbm>>
    %dma_start3A_124 = arith.constant 0 : i32
    %dma_start3A_125 = tpu.memref_slice %arg5[%dma_start3A_120, %add3A_119, %dma_start3A_124] : memref<4x2048x1024xf32, #tpu.memory_space<hbm>> -> memref<1x32x1024xf32, #tpu.memory_space<hbm>>
    %dma_start3A_126 = tpu.memref_squeeze %dma_start3A_125 : memref<1x32x1024xf32, #tpu.memory_space<hbm>> -> memref<32x1024xf32, #tpu.memory_space<hbm>>
    tpu.enqueue_dma source(%arg9 : memref<32x1024xf32, #tpu.memory_space<vmem>>) target(%dma_start3A_126 : memref<32x1024xf32, #tpu.memory_space<hbm>>) target_semaphore(%arg14 : memref<!tpu.dma_semaphore, #tpu.memory_space<semaphore_mem>>)
    %dma_wait3A_127 = arith.constant 2 : i32
    %dma_wait3A_128 = arith.constant 0 : i32
    %dma_wait3A_129 = tpu.memref_slice %arg5[%dma_wait3A_127, %add3A_119, %dma_wait3A_128] : memref<4x2048x1024xf32, #tpu.memory_space<hbm>> -> memref<1x32x1024xf32, #tpu.memory_space<hbm>>
    %dma_wait3A_130 = tpu.memref_squeeze %dma_wait3A_129 : memref<1x32x1024xf32, #tpu.memory_space<hbm>> -> memref<32x1024xf32, #tpu.memory_space<hbm>>
    %dma_wait3A_131 = arith.constant 0 : i32
    %dma_wait3A_132 = tpu.memref_slice %arg5[%dma_wait3A_127, %add3A_119, %dma_wait3A_131] : memref<4x2048x1024xf32, #tpu.memory_space<hbm>> -> memref<1x32x1024xf32, #tpu.memory_space<hbm>>
    %dma_wait3A_133 = tpu.memref_squeeze %dma_wait3A_132 : memref<1x32x1024xf32, #tpu.memory_space<hbm>> -> memref<32x1024xf32, #tpu.memory_space<hbm>>
    tpu.wait_dma2 semaphore(%arg14 : memref<!tpu.dma_semaphore, #tpu.memory_space<semaphore_mem>>) src(%arg9 : memref<32x1024xf32, #tpu.memory_space<vmem>>) dst(%dma_wait3A_133 : memref<32x1024xf32, #tpu.memory_space<hbm>>)
    %add3A_134 = arith.constant 32 : i32
    %add3A_135 = arith.addi %mul3A_2, %add3A_134 : i32
    %dma_start3A_136 = arith.constant 0 : i32
    %dma_start3A_137 = arith.constant 0 : i32
    %dma_start3A_138 = tpu.memref_slice %arg2[%dma_start3A_136, %add3A_135, %dma_start3A_137] : memref<4x2048x1024xf32, #tpu.memory_space<hbm>> -> memref<1x32x1024xf32, #tpu.memory_space<hbm>>
    %dma_start3A_139 = tpu.memref_squeeze %dma_start3A_138 : memref<1x32x1024xf32, #tpu.memory_space<hbm>> -> memref<32x1024xf32, #tpu.memory_space<hbm>>
    %dma_start3A_140 = arith.constant 0 : i32
    %dma_start3A_141 = tpu.memref_slice %arg2[%dma_start3A_136, %add3A_135, %dma_start3A_140] : memref<4x2048x1024xf32, #tpu.memory_space<hbm>> -> memref<1x32x1024xf32, #tpu.memory_space<hbm>>
    %dma_start3A_142 = tpu.memref_squeeze %dma_start3A_141 : memref<1x32x1024xf32, #tpu.memory_space<hbm>> -> memref<32x1024xf32, #tpu.memory_space<hbm>>
    tpu.enqueue_dma source(%dma_start3A_142 : memref<32x1024xf32, #tpu.memory_space<hbm>>) target(%arg9 : memref<32x1024xf32, #tpu.memory_space<vmem>>) target_semaphore(%arg12 : memref<!tpu.dma_semaphore, #tpu.memory_space<semaphore_mem>>)
    %dma_wait3A_143 = arith.constant 3 : i32
    %dma_wait3A_144 = arith.constant 0 : i32
    %dma_wait3A_145 = tpu.memref_slice %arg2[%dma_wait3A_143, %add3A_96, %dma_wait3A_144] : memref<4x2048x1024xf32, #tpu.memory_space<hbm>> -> memref<1x32x1024xf32, #tpu.memory_space<hbm>>
    %dma_wait3A_146 = tpu.memref_squeeze %dma_wait3A_145 : memref<1x32x1024xf32, #tpu.memory_space<hbm>> -> memref<32x1024xf32, #tpu.memory_space<hbm>>
    %dma_wait3A_147 = arith.constant 0 : i32
    %dma_wait3A_148 = tpu.memref_slice %arg2[%dma_wait3A_143, %add3A_96, %dma_wait3A_147] : memref<4x2048x1024xf32, #tpu.memory_space<hbm>> -> memref<1x32x1024xf32, #tpu.memory_space<hbm>>
    %dma_wait3A_149 = tpu.memref_squeeze %dma_wait3A_148 : memref<1x32x1024xf32, #tpu.memory_space<hbm>> -> memref<32x1024xf32, #tpu.memory_space<hbm>>
    tpu.wait_dma2 semaphore(%arg13 : memref<!tpu.dma_semaphore, #tpu.memory_space<semaphore_mem>>) src(%dma_wait3A_149 : memref<32x1024xf32, #tpu.memory_space<hbm>>) dst(%arg10 : memref<32x1024xf32, #tpu.memory_space<vmem>>)
    %scan3A_150 = arith.constant 0 : i32
    %scan3A_151 = arith.constant 0 : i32
    %scan3A_152 = arith.constant 512 : i32
    %scan3A_153 = arith.addi %scan3A_151, %scan3A_152 : i32
    %scan3A_154 = arith.constant 1 : i32
    %scan3A_155 = scf.for %scan3A_328 = %scan3A_151 to %scan3A_153 step %scan3A_154 iter_args(%scan3A_329 = %scan3A_150) -> (i32)  : i32 {
      %jit3A = arith.constant 16 : i32
      %div3A = arith.divsi %scan3A_328, %jit3A : i32
      %sign3A = arith.constant 0 : i32
      %sign3A_330 = arith.cmpi sgt, %scan3A_328, %sign3A : i32
      %sign3A_331 = arith.extui %sign3A_330 : i1 to i32
      %sign3A_332 = arith.constant 0 : i32
      %sign3A_333 = arith.cmpi slt, %scan3A_328, %sign3A_332 : i32
      %sign3A_334 = arith.extui %sign3A_333 : i1 to i32
      %sign3A_335 = arith.subi %sign3A_331, %sign3A_334 : i32
      %sign3A_336 = arith.constant 0 : i32
      %sign3A_337 = arith.cmpi sgt, %jit3A, %sign3A_336 : i32
      %sign3A_338 = arith.extui %sign3A_337 : i1 to i32
      %sign3A_339 = arith.constant 0 : i32
      %sign3A_340 = arith.cmpi slt, %jit3A, %sign3A_339 : i32
      %sign3A_341 = arith.extui %sign3A_340 : i1 to i32
      %sign3A_342 = arith.subi %sign3A_338, %sign3A_341 : i32
      %ne3A = arith.cmpi ne, %sign3A_335, %sign3A_342 : i32
      %rem3A = arith.remsi %scan3A_328, %jit3A : i32
      %ne3A_343 = arith.constant 0 : i32
      %ne3A_344 = arith.cmpi ne, %rem3A, %ne3A_343 : i32
      %and3A = arith.andi %ne3A, %ne3A_344 : i1
      %sub3A = arith.constant 1 : i32
      %sub3A_345 = arith.subi %div3A, %sub3A : i32
      %select_n3A = arith.select %and3A, %sub3A_345, %div3A : i32
      %jit3A_346 = arith.constant 16 : i32
      %eq3A = arith.constant 0 : i32
      %eq3A_347 = arith.cmpi eq, %jit3A_346, %eq3A : i32
      %jit3A_348 = arith.constant 1 : i32
      %select_n3A_349 = arith.select %eq3A_347, %jit3A_348, %jit3A_346 : i32
      %rem3A_350 = arith.remsi %scan3A_328, %select_n3A_349 : i32
      %ne3A_351 = arith.constant 0 : i32
      %ne3A_352 = arith.cmpi ne, %rem3A_350, %ne3A_351 : i32
      %lt3A = arith.constant 0 : i32
      %lt3A_353 = arith.cmpi slt, %rem3A_350, %lt3A : i32
      %lt3A_354 = arith.constant 0 : i32
      %lt3A_355 = arith.cmpi slt, %select_n3A_349, %lt3A_354 : i32
      %ne3A_356 = arith.xori %lt3A_353, %lt3A_355 : i1
      %and3A_357 = arith.andi %ne3A_356, %ne3A_352 : i1
      %add3A_358 = arith.addi %rem3A_350, %select_n3A_349 : i32
      %select_n3A_359 = arith.select %and3A_357, %add3A_358, %rem3A_350 : i32
      %mul3A_360 = arith.constant 4 : i32
      %mul3A_361 = arith.muli %select_n3A_359, %mul3A_360 : i32
      %add3A_362 = arith.constant 0 : i32
      %add3A_363 = arith.addi %mul3A_361, %add3A_362 : i32
      %mul3A_364 = arith.constant 16 : i32
      %mul3A_365 = arith.muli %add3A_363, %mul3A_364 : i32
      %add3A_366 = arith.constant 0 : i32
      %add3A_367 = arith.addi %mul3A_361, %add3A_366 : i32
      %mul3A_368 = arith.constant 16 : i32
      %mul3A_369 = arith.muli %add3A_367, %mul3A_368 : i32
      %get3A = arith.index_cast %select_n3A : i32 to index
      %get3A_370 = arith.index_cast %mul3A_369 : i32 to index
      %get3A_371 = tpu.vector_load %arg8[%get3A, %get3A_370] {strides = array<i32>} : memref<32x1024xf32, #tpu.memory_space<vmem>>, vector<1x16xf32>,
      %get3A_372 = vector.shape_cast %get3A_371 : vector<1x16xf32> to vector<16xf32>
      %swap3A = arith.index_cast %select_n3A : i32 to index
      %swap3A_373 = arith.index_cast %mul3A_365 : i32 to index
      %swap3A_374 = tpu.vector_load %arg10[%swap3A, %swap3A_373] {strides = array<i32>} : memref<32x1024xf32, #tpu.memory_space<vmem>>, vector<1x16xf32>,
      %swap3A_375 = vector.shape_cast %swap3A_374 : vector<1x16xf32> to vector<16xf32>
      %swap3A_376 = vector.shape_cast %get3A_372 : vector<16xf32> to vector<1x16xf32>
      tpu.vector_store %arg10[%swap3A, %swap3A_373], %swap3A_376 {add = true, strides = array<i32>} : memref<32x1024xf32, #tpu.memory_space<vmem>>, vector<1x16xf32>,
      %add3A_377 = arith.constant 1 : i32
      %add3A_378 = arith.addi %mul3A_361, %add3A_377 : i32
      %mul3A_379 = arith.constant 16 : i32
      %mul3A_380 = arith.muli %add3A_378, %mul3A_379 : i32
      %add3A_381 = arith.constant 1 : i32
      %add3A_382 = arith.addi %mul3A_361, %add3A_381 : i32
      %mul3A_383 = arith.constant 16 : i32
      %mul3A_384 = arith.muli %add3A_382, %mul3A_383 : i32
      %get3A_385 = arith.index_cast %select_n3A : i32 to index
      %get3A_386 = arith.index_cast %mul3A_384 : i32 to index
      %get3A_387 = tpu.vector_load %arg8[%get3A_385, %get3A_386] {strides = array<i32>} : memref<32x1024xf32, #tpu.memory_space<vmem>>, vector<1x16xf32>,
      %get3A_388 = vector.shape_cast %get3A_387 : vector<1x16xf32> to vector<16xf32>
      %swap3A_389 = arith.index_cast %select_n3A : i32 to index
      %swap3A_390 = arith.index_cast %mul3A_380 : i32 to index
      %swap3A_391 = tpu.vector_load %arg10[%swap3A_389, %swap3A_390] {strides = array<i32>} : memref<32x1024xf32, #tpu.memory_space<vmem>>, vector<1x16xf32>,
      %swap3A_392 = vector.shape_cast %swap3A_391 : vector<1x16xf32> to vector<16xf32>
      %swap3A_393 = vector.shape_cast %get3A_388 : vector<16xf32> to vector<1x16xf32>
      tpu.vector_store %arg10[%swap3A_389, %swap3A_390], %swap3A_393 {add = true, strides = array<i32>} : memref<32x1024xf32, #tpu.memory_space<vmem>>, vector<1x16xf32>,
      %add3A_394 = arith.constant 2 : i32
      %add3A_395 = arith.addi %mul3A_361, %add3A_394 : i32
      %mul3A_396 = arith.constant 16 : i32
      %mul3A_397 = arith.muli %add3A_395, %mul3A_396 : i32
      %add3A_398 = arith.constant 2 : i32
      %add3A_399 = arith.addi %mul3A_361, %add3A_398 : i32
      %mul3A_400 = arith.constant 16 : i32
      %mul3A_401 = arith.muli %add3A_399, %mul3A_400 : i32
      %get3A_402 = arith.index_cast %select_n3A : i32 to index
      %get3A_403 = arith.index_cast %mul3A_401 : i32 to index
      %get3A_404 = tpu.vector_load %arg8[%get3A_402, %get3A_403] {strides = array<i32>} : memref<32x1024xf32, #tpu.memory_space<vmem>>, vector<1x16xf32>,
      %get3A_405 = vector.shape_cast %get3A_404 : vector<1x16xf32> to vector<16xf32>
      %swap3A_406 = arith.index_cast %select_n3A : i32 to index
      %swap3A_407 = arith.index_cast %mul3A_397 : i32 to index
      %swap3A_408 = tpu.vector_load %arg10[%swap3A_406, %swap3A_407] {strides = array<i32>} : memref<32x1024xf32, #tpu.memory_space<vmem>>, vector<1x16xf32>,
      %swap3A_409 = vector.shape_cast %swap3A_408 : vector<1x16xf32> to vector<16xf32>
      %swap3A_410 = vector.shape_cast %get3A_405 : vector<16xf32> to vector<1x16xf32>
      tpu.vector_store %arg10[%swap3A_406, %swap3A_407], %swap3A_410 {add = true, strides = array<i32>} : memref<32x1024xf32, #tpu.memory_space<vmem>>, vector<1x16xf32>,
      %add3A_411 = arith.constant 3 : i32
      %add3A_412 = arith.addi %mul3A_361, %add3A_411 : i32
      %mul3A_413 = arith.constant 16 : i32
      %mul3A_414 = arith.muli %add3A_412, %mul3A_413 : i32
      %add3A_415 = arith.constant 3 : i32
      %add3A_416 = arith.addi %mul3A_361, %add3A_415 : i32
      %mul3A_417 = arith.constant 16 : i32
      %mul3A_418 = arith.muli %add3A_416, %mul3A_417 : i32
      %get3A_419 = arith.index_cast %select_n3A : i32 to index
      %get3A_420 = arith.index_cast %mul3A_418 : i32 to index
      %get3A_421 = tpu.vector_load %arg8[%get3A_419, %get3A_420] {strides = array<i32>} : memref<32x1024xf32, #tpu.memory_space<vmem>>, vector<1x16xf32>,
      %get3A_422 = vector.shape_cast %get3A_421 : vector<1x16xf32> to vector<16xf32>
      %swap3A_423 = arith.index_cast %select_n3A : i32 to index
      %swap3A_424 = arith.index_cast %mul3A_414 : i32 to index
      %swap3A_425 = tpu.vector_load %arg10[%swap3A_423, %swap3A_424] {strides = array<i32>} : memref<32x1024xf32, #tpu.memory_space<vmem>>, vector<1x16xf32>,
      %swap3A_426 = vector.shape_cast %swap3A_425 : vector<1x16xf32> to vector<16xf32>
      %swap3A_427 = vector.shape_cast %get3A_422 : vector<16xf32> to vector<1x16xf32>
      tpu.vector_store %arg10[%swap3A_423, %swap3A_424], %swap3A_427 {add = true, strides = array<i32>} : memref<32x1024xf32, #tpu.memory_space<vmem>>, vector<1x16xf32>,
      %scan3A_428 = arith.constant 0 : i32
      scf.yield %scan3A_428 : i32
    }
    %scan3A_156 = arith.constant 512 : i32
    %add3A_157 = arith.constant 32 : i32
    %add3A_158 = arith.addi %mul3A_2, %add3A_157 : i32
    "tpu.region"() ({
      %run_scoped3A = tpu.sem_alloc : memref<!tpu.dma_semaphore, #tpu.memory_space<semaphore_mem>>
      %dma_start3A_328 = tpu.memref_slice %arg4[%add3A_158] : memref<2048xi32, #tpu.memory_space<hbm>> -> memref<32xi32, #tpu.memory_space<hbm>>
      %dma_start3A_329 = tpu.memref_slice %arg4[%add3A_158] : memref<2048xi32, #tpu.memory_space<hbm>> -> memref<32xi32, #tpu.memory_space<hbm>>
      tpu.enqueue_dma source(%dma_start3A_329 : memref<32xi32, #tpu.memory_space<hbm>>) target(%arg7 : memref<32xi32, #tpu.memory_space<vmem>>) target_semaphore(%run_scoped3A : memref<!tpu.dma_semaphore, #tpu.memory_space<semaphore_mem>>)
      %dma_wait3A_330 = tpu.memref_slice %arg4[%add3A_158] : memref<2048xi32, #tpu.memory_space<hbm>> -> memref<32xi32, #tpu.memory_space<hbm>>
      %dma_wait3A_331 = tpu.memref_slice %arg4[%add3A_158] : memref<2048xi32, #tpu.memory_space<hbm>> -> memref<32xi32, #tpu.memory_space<hbm>>
      tpu.wait_dma2 semaphore(%run_scoped3A : memref<!tpu.dma_semaphore, #tpu.memory_space<semaphore_mem>>) src(%dma_wait3A_331 : memref<32xi32, #tpu.memory_space<hbm>>) dst(%arg7 : memref<32xi32, #tpu.memory_space<vmem>>)
      tpu.yield
    }) : () -> ()
    %dma_start3A_159 = arith.constant 0 : i32
    %dma_start3A_160 = arith.constant 0 : i32
    %dma_start3A_161 = tpu.memref_slice %arg3[%dma_start3A_159, %dma_start3A_160] : memref<2048x1024xf32, #tpu.memory_space<hbm>> -> memref<2048x1024xf32, #tpu.memory_space<hbm>>
    tpu.enqueue_indirect_dma source(%dma_start3A_161 : memref<2048x1024xf32, #tpu.memory_space<hbm>>) target(%arg8 : memref<32x1024xf32, #tpu.memory_space<vmem>>) offsets(%arg7 : memref<32xi32, #tpu.memory_space<vmem>>) semaphore(%arg11 : memref<!tpu.dma_semaphore, #tpu.memory_space<semaphore_mem>>)
    %add3A_162 = arith.constant 0 : i32
    %add3A_163 = arith.addi %mul3A_2, %add3A_162 : i32
    %dma_start3A_164 = arith.constant 3 : i32
    %dma_start3A_165 = arith.constant 0 : i32
    %dma_start3A_166 = tpu.memref_slice %arg5[%dma_start3A_164, %add3A_163, %dma_start3A_165] : memref<4x2048x1024xf32, #tpu.memory_space<hbm>> -> memref<1x32x1024xf32, #tpu.memory_space<hbm>>
    %dma_start3A_167 = tpu.memref_squeeze %dma_start3A_166 : memref<1x32x1024xf32, #tpu.memory_space<hbm>> -> memref<32x1024xf32, #tpu.memory_space<hbm>>
    %dma_start3A_168 = arith.constant 0 : i32
    %dma_start3A_169 = tpu.memref_slice %arg5[%dma_start3A_164, %add3A_163, %dma_start3A_168] : memref<4x2048x1024xf32, #tpu.memory_space<hbm>> -> memref<1x32x1024xf32, #tpu.memory_space<hbm>>
    %dma_start3A_170 = tpu.memref_squeeze %dma_start3A_169 : memref<1x32x1024xf32, #tpu.memory_space<hbm>> -> memref<32x1024xf32, #tpu.memory_space<hbm>>
    tpu.enqueue_dma source(%arg10 : memref<32x1024xf32, #tpu.memory_space<vmem>>) target(%dma_start3A_170 : memref<32x1024xf32, #tpu.memory_space<hbm>>) target_semaphore(%arg15 : memref<!tpu.dma_semaphore, #tpu.memory_space<semaphore_mem>>)
    %dma_wait3A_171 = arith.constant 3 : i32
    %dma_wait3A_172 = arith.constant 0 : i32
    %dma_wait3A_173 = tpu.memref_slice %arg5[%dma_wait3A_171, %add3A_163, %dma_wait3A_172] : memref<4x2048x1024xf32, #tpu.memory_space<hbm>> -> memref<1x32x1024xf32, #tpu.memory_space<hbm>>
    %dma_wait3A_174 = tpu.memref_squeeze %dma_wait3A_173 : memref<1x32x1024xf32, #tpu.memory_space<hbm>> -> memref<32x1024xf32, #tpu.memory_space<hbm>>
    %dma_wait3A_175 = arith.constant 0 : i32
    %dma_wait3A_176 = tpu.memref_slice %arg5[%dma_wait3A_171, %add3A_163, %dma_wait3A_175] : memref<4x2048x1024xf32, #tpu.memory_space<hbm>> -> memref<1x32x1024xf32, #tpu.memory_space<hbm>>
    %dma_wait3A_177 = tpu.memref_squeeze %dma_wait3A_176 : memref<1x32x1024xf32, #tpu.memory_space<hbm>> -> memref<32x1024xf32, #tpu.memory_space<hbm>>
    tpu.wait_dma2 semaphore(%arg15 : memref<!tpu.dma_semaphore, #tpu.memory_space<semaphore_mem>>) src(%arg10 : memref<32x1024xf32, #tpu.memory_space<vmem>>) dst(%dma_wait3A_177 : memref<32x1024xf32, #tpu.memory_space<hbm>>)
    %add3A_178 = arith.constant 32 : i32
    %add3A_179 = arith.addi %mul3A_2, %add3A_178 : i32
    %dma_start3A_180 = arith.constant 1 : i32
    %dma_start3A_181 = arith.constant 0 : i32
    %dma_start3A_182 = tpu.memref_slice %arg2[%dma_start3A_180, %add3A_179, %dma_start3A_181] : memref<4x2048x1024xf32, #tpu.memory_space<hbm>> -> memref<1x32x1024xf32, #tpu.memory_space<hbm>>
    %dma_start3A_183 = tpu.memref_squeeze %dma_start3A_182 : memref<1x32x1024xf32, #tpu.memory_space<hbm>> -> memref<32x1024xf32, #tpu.memory_space<hbm>>
    %dma_start3A_184 = arith.constant 0 : i32
    %dma_start3A_185 = tpu.memref_slice %arg2[%dma_start3A_180, %add3A_179, %dma_start3A_184] : memref<4x2048x1024xf32, #tpu.memory_space<hbm>> -> memref<1x32x1024xf32, #tpu.memory_space<hbm>>
    %dma_start3A_186 = tpu.memref_squeeze %dma_start3A_185 : memref<1x32x1024xf32, #tpu.memory_space<hbm>> -> memref<32x1024xf32, #tpu.memory_space<hbm>>
    tpu.enqueue_dma source(%dma_start3A_186 : memref<32x1024xf32, #tpu.memory_space<hbm>>) target(%arg10 : memref<32x1024xf32, #tpu.memory_space<vmem>>) target_semaphore(%arg13 : memref<!tpu.dma_semaphore, #tpu.memory_space<semaphore_mem>>)
    %dma_wait3A_187 = arith.constant 0 : i32
    %dma_wait3A_188 = arith.constant 0 : i32
    %dma_wait3A_189 = tpu.memref_slice %arg2[%dma_wait3A_187, %add3A_135, %dma_wait3A_188] : memref<4x2048x1024xf32, #tpu.memory_space<hbm>> -> memref<1x32x1024xf32, #tpu.memory_space<hbm>>
    %dma_wait3A_190 = tpu.memref_squeeze %dma_wait3A_189 : memref<1x32x1024xf32, #tpu.memory_space<hbm>> -> memref<32x1024xf32, #tpu.memory_space<hbm>>
    %dma_wait3A_191 = arith.constant 0 : i32
    %dma_wait3A_192 = tpu.memref_slice %arg2[%dma_wait3A_187, %add3A_135, %dma_wait3A_191] : memref<4x2048x1024xf32, #tpu.memory_space<hbm>> -> memref<1x32x1024xf32, #tpu.memory_space<hbm>>
    %dma_wait3A_193 = tpu.memref_squeeze %dma_wait3A_192 : memref<1x32x1024xf32, #tpu.memory_space<hbm>> -> memref<32x1024xf32, #tpu.memory_space<hbm>>
    tpu.wait_dma2 semaphore(%arg12 : memref<!tpu.dma_semaphore, #tpu.memory_space<semaphore_mem>>) src(%dma_wait3A_193 : memref<32x1024xf32, #tpu.memory_space<hbm>>) dst(%arg9 : memref<32x1024xf32, #tpu.memory_space<vmem>>)
    %dma_wait3A_194 = arith.constant 0 : i32
    %dma_wait3A_195 = arith.constant 0 : i32
    %dma_wait3A_196 = tpu.memref_slice %arg3[%dma_wait3A_194, %dma_wait3A_195] : memref<2048x1024xf32, #tpu.memory_space<hbm>> -> memref<2048x1024xf32, #tpu.memory_space<hbm>>
    tpu.wait_indirect_dma semaphore(%arg11 : memref<!tpu.dma_semaphore, #tpu.memory_space<semaphore_mem>>) src(%dma_wait3A_196 : memref<2048x1024xf32, #tpu.memory_space<hbm>>) dst(%arg8 : memref<32x1024xf32, #tpu.memory_space<vmem>>)
    %scan3A_197 = arith.constant 0 : i32
    %scan3A_198 = arith.constant 0 : i32
    %scan3A_199 = arith.constant 512 : i32
    %scan3A_200 = arith.addi %scan3A_198, %scan3A_199 : i32
    %scan3A_201 = arith.constant 1 : i32
    %scan3A_202 = scf.for %scan3A_328 = %scan3A_198 to %scan3A_200 step %scan3A_201 iter_args(%scan3A_329 = %scan3A_197) -> (i32)  : i32 {
      %jit3A = arith.constant 16 : i32
      %div3A = arith.divsi %scan3A_328, %jit3A : i32
      %sign3A = arith.constant 0 : i32
      %sign3A_330 = arith.cmpi sgt, %scan3A_328, %sign3A : i32
      %sign3A_331 = arith.extui %sign3A_330 : i1 to i32
      %sign3A_332 = arith.constant 0 : i32
      %sign3A_333 = arith.cmpi slt, %scan3A_328, %sign3A_332 : i32
      %sign3A_334 = arith.extui %sign3A_333 : i1 to i32
      %sign3A_335 = arith.subi %sign3A_331, %sign3A_334 : i32
      %sign3A_336 = arith.constant 0 : i32
      %sign3A_337 = arith.cmpi sgt, %jit3A, %sign3A_336 : i32
      %sign3A_338 = arith.extui %sign3A_337 : i1 to i32
      %sign3A_339 = arith.constant 0 : i32
      %sign3A_340 = arith.cmpi slt, %jit3A, %sign3A_339 : i32
      %sign3A_341 = arith.extui %sign3A_340 : i1 to i32
      %sign3A_342 = arith.subi %sign3A_338, %sign3A_341 : i32
      %ne3A = arith.cmpi ne, %sign3A_335, %sign3A_342 : i32
      %rem3A = arith.remsi %scan3A_328, %jit3A : i32
      %ne3A_343 = arith.constant 0 : i32
      %ne3A_344 = arith.cmpi ne, %rem3A, %ne3A_343 : i32
      %and3A = arith.andi %ne3A, %ne3A_344 : i1
      %sub3A = arith.constant 1 : i32
      %sub3A_345 = arith.subi %div3A, %sub3A : i32
      %select_n3A = arith.select %and3A, %sub3A_345, %div3A : i32
      %jit3A_346 = arith.constant 16 : i32
      %eq3A = arith.constant 0 : i32
      %eq3A_347 = arith.cmpi eq, %jit3A_346, %eq3A : i32
      %jit3A_348 = arith.constant 1 : i32
      %select_n3A_349 = arith.select %eq3A_347, %jit3A_348, %jit3A_346 : i32
      %rem3A_350 = arith.remsi %scan3A_328, %select_n3A_349 : i32
      %ne3A_351 = arith.constant 0 : i32
      %ne3A_352 = arith.cmpi ne, %rem3A_350, %ne3A_351 : i32
      %lt3A = arith.constant 0 : i32
      %lt3A_353 = arith.cmpi slt, %rem3A_350, %lt3A : i32
      %lt3A_354 = arith.constant 0 : i32
      %lt3A_355 = arith.cmpi slt, %select_n3A_349, %lt3A_354 : i32
      %ne3A_356 = arith.xori %lt3A_353, %lt3A_355 : i1
      %and3A_357 = arith.andi %ne3A_356, %ne3A_352 : i1
      %add3A_358 = arith.addi %rem3A_350, %select_n3A_349 : i32
      %select_n3A_359 = arith.select %and3A_357, %add3A_358, %rem3A_350 : i32
      %mul3A_360 = arith.constant 4 : i32
      %mul3A_361 = arith.muli %select_n3A_359, %mul3A_360 : i32
      %add3A_362 = arith.constant 0 : i32
      %add3A_363 = arith.addi %mul3A_361, %add3A_362 : i32
      %mul3A_364 = arith.constant 16 : i32
      %mul3A_365 = arith.muli %add3A_363, %mul3A_364 : i32
      %add3A_366 = arith.constant 0 : i32
      %add3A_367 = arith.addi %mul3A_361, %add3A_366 : i32
      %mul3A_368 = arith.constant 16 : i32
      %mul3A_369 = arith.muli %add3A_367, %mul3A_368 : i32
      %get3A = arith.index_cast %select_n3A : i32 to index
      %get3A_370 = arith.index_cast %mul3A_369 : i32 to index
      %get3A_371 = tpu.vector_load %arg8[%get3A, %get3A_370] {strides = array<i32>} : memref<32x1024xf32, #tpu.memory_space<vmem>>, vector<1x16xf32>,
      %get3A_372 = vector.shape_cast %get3A_371 : vector<1x16xf32> to vector<16xf32>
      %swap3A = arith.index_cast %select_n3A : i32 to index
      %swap3A_373 = arith.index_cast %mul3A_365 : i32 to index
      %swap3A_374 = tpu.vector_load %arg9[%swap3A, %swap3A_373] {strides = array<i32>} : memref<32x1024xf32, #tpu.memory_space<vmem>>, vector<1x16xf32>,
      %swap3A_375 = vector.shape_cast %swap3A_374 : vector<1x16xf32> to vector<16xf32>
      %swap3A_376 = vector.shape_cast %get3A_372 : vector<16xf32> to vector<1x16xf32>
      tpu.vector_store %arg9[%swap3A, %swap3A_373], %swap3A_376 {add = true, strides = array<i32>} : memref<32x1024xf32, #tpu.memory_space<vmem>>, vector<1x16xf32>,
      %add3A_377 = arith.constant 1 : i32
      %add3A_378 = arith.addi %mul3A_361, %add3A_377 : i32
      %mul3A_379 = arith.constant 16 : i32
      %mul3A_380 = arith.muli %add3A_378, %mul3A_379 : i32
      %add3A_381 = arith.constant 1 : i32
      %add3A_382 = arith.addi %mul3A_361, %add3A_381 : i32
      %mul3A_383 = arith.constant 16 : i32
      %mul3A_384 = arith.muli %add3A_382, %mul3A_383 : i32
      %get3A_385 = arith.index_cast %select_n3A : i32 to index
      %get3A_386 = arith.index_cast %mul3A_384 : i32 to index
      %get3A_387 = tpu.vector_load %arg8[%get3A_385, %get3A_386] {strides = array<i32>} : memref<32x1024xf32, #tpu.memory_space<vmem>>, vector<1x16xf32>,
      %get3A_388 = vector.shape_cast %get3A_387 : vector<1x16xf32> to vector<16xf32>
      %swap3A_389 = arith.index_cast %select_n3A : i32 to index
      %swap3A_390 = arith.index_cast %mul3A_380 : i32 to index
      %swap3A_391 = tpu.vector_load %arg9[%swap3A_389, %swap3A_390] {strides = array<i32>} : memref<32x1024xf32, #tpu.memory_space<vmem>>, vector<1x16xf32>,
      %swap3A_392 = vector.shape_cast %swap3A_391 : vector<1x16xf32> to vector<16xf32>
      %swap3A_393 = vector.shape_cast %get3A_388 : vector<16xf32> to vector<1x16xf32>
      tpu.vector_store %arg9[%swap3A_389, %swap3A_390], %swap3A_393 {add = true, strides = array<i32>} : memref<32x1024xf32, #tpu.memory_space<vmem>>, vector<1x16xf32>,
      %add3A_394 = arith.constant 2 : i32
      %add3A_395 = arith.addi %mul3A_361, %add3A_394 : i32
      %mul3A_396 = arith.constant 16 : i32
      %mul3A_397 = arith.muli %add3A_395, %mul3A_396 : i32
      %add3A_398 = arith.constant 2 : i32
      %add3A_399 = arith.addi %mul3A_361, %add3A_398 : i32
      %mul3A_400 = arith.constant 16 : i32
      %mul3A_401 = arith.muli %add3A_399, %mul3A_400 : i32
      %get3A_402 = arith.index_cast %select_n3A : i32 to index
      %get3A_403 = arith.index_cast %mul3A_401 : i32 to index
      %get3A_404 = tpu.vector_load %arg8[%get3A_402, %get3A_403] {strides = array<i32>} : memref<32x1024xf32, #tpu.memory_space<vmem>>, vector<1x16xf32>,
      %get3A_405 = vector.shape_cast %get3A_404 : vector<1x16xf32> to vector<16xf32>
      %swap3A_406 = arith.index_cast %select_n3A : i32 to index
      %swap3A_407 = arith.index_cast %mul3A_397 : i32 to index
      %swap3A_408 = tpu.vector_load %arg9[%swap3A_406, %swap3A_407] {strides = array<i32>} : memref<32x1024xf32, #tpu.memory_space<vmem>>, vector<1x16xf32>,
      %swap3A_409 = vector.shape_cast %swap3A_408 : vector<1x16xf32> to vector<16xf32>
      %swap3A_410 = vector.shape_cast %get3A_405 : vector<16xf32> to vector<1x16xf32>
      tpu.vector_store %arg9[%swap3A_406, %swap3A_407], %swap3A_410 {add = true, strides = array<i32>} : memref<32x1024xf32, #tpu.memory_space<vmem>>, vector<1x16xf32>,
      %add3A_411 = arith.constant 3 : i32
      %add3A_412 = arith.addi %mul3A_361, %add3A_411 : i32
      %mul3A_413 = arith.constant 16 : i32
      %mul3A_414 = arith.muli %add3A_412, %mul3A_413 : i32
      %add3A_415 = arith.constant 3 : i32
      %add3A_416 = arith.addi %mul3A_361, %add3A_415 : i32
      %mul3A_417 = arith.constant 16 : i32
      %mul3A_418 = arith.muli %add3A_416, %mul3A_417 : i32
      %get3A_419 = arith.index_cast %select_n3A : i32 to index
      %get3A_420 = arith.index_cast %mul3A_418 : i32 to index
      %get3A_421 = tpu.vector_load %arg8[%get3A_419, %get3A_420] {strides = array<i32>} : memref<32x1024xf32, #tpu.memory_space<vmem>>, vector<1x16xf32>,
      %get3A_422 = vector.shape_cast %get3A_421 : vector<1x16xf32> to vector<16xf32>
      %swap3A_423 = arith.index_cast %select_n3A : i32 to index
      %swap3A_424 = arith.index_cast %mul3A_414 : i32 to index
      %swap3A_425 = tpu.vector_load %arg9[%swap3A_423, %swap3A_424] {strides = array<i32>} : memref<32x1024xf32, #tpu.memory_space<vmem>>, vector<1x16xf32>,
      %swap3A_426 = vector.shape_cast %swap3A_425 : vector<1x16xf32> to vector<16xf32>
      %swap3A_427 = vector.shape_cast %get3A_422 : vector<16xf32> to vector<1x16xf32>
      tpu.vector_store %arg9[%swap3A_423, %swap3A_424], %swap3A_427 {add = true, strides = array<i32>} : memref<32x1024xf32, #tpu.memory_space<vmem>>, vector<1x16xf32>,
      %scan3A_428 = arith.constant 0 : i32
      scf.yield %scan3A_428 : i32
    }
    %scan3A_203 = arith.constant 512 : i32
    %add3A_204 = arith.constant 32 : i32
    %add3A_205 = arith.addi %mul3A_2, %add3A_204 : i32
    %dma_start3A_206 = arith.constant 0 : i32
    %dma_start3A_207 = arith.constant 0 : i32
    %dma_start3A_208 = tpu.memref_slice %arg5[%dma_start3A_206, %add3A_205, %dma_start3A_207] : memref<4x2048x1024xf32, #tpu.memory_space<hbm>> -> memref<1x32x1024xf32, #tpu.memory_space<hbm>>
    %dma_start3A_209 = tpu.memref_squeeze %dma_start3A_208 : memref<1x32x1024xf32, #tpu.memory_space<hbm>> -> memref<32x1024xf32, #tpu.memory_space<hbm>>
    %dma_start3A_210 = arith.constant 0 : i32
    %dma_start3A_211 = tpu.memref_slice %arg5[%dma_start3A_206, %add3A_205, %dma_start3A_210] : memref<4x2048x1024xf32, #tpu.memory_space<hbm>> -> memref<1x32x1024xf32, #tpu.memory_space<hbm>>
    %dma_start3A_212 = tpu.memref_squeeze %dma_start3A_211 : memref<1x32x1024xf32, #tpu.memory_space<hbm>> -> memref<32x1024xf32, #tpu.memory_space<hbm>>
    tpu.enqueue_dma source(%arg9 : memref<32x1024xf32, #tpu.memory_space<vmem>>) target(%dma_start3A_212 : memref<32x1024xf32, #tpu.memory_space<hbm>>) target_semaphore(%arg14 : memref<!tpu.dma_semaphore, #tpu.memory_space<semaphore_mem>>)
    %dma_wait3A_213 = arith.constant 0 : i32
    %dma_wait3A_214 = arith.constant 0 : i32
    %dma_wait3A_215 = tpu.memref_slice %arg5[%dma_wait3A_213, %add3A_205, %dma_wait3A_214] : memref<4x2048x1024xf32, #tpu.memory_space<hbm>> -> memref<1x32x1024xf32, #tpu.memory_space<hbm>>
    %dma_wait3A_216 = tpu.memref_squeeze %dma_wait3A_215 : memref<1x32x1024xf32, #tpu.memory_space<hbm>> -> memref<32x1024xf32, #tpu.memory_space<hbm>>
    %dma_wait3A_217 = arith.constant 0 : i32
    %dma_wait3A_218 = tpu.memref_slice %arg5[%dma_wait3A_213, %add3A_205, %dma_wait3A_217] : memref<4x2048x1024xf32, #tpu.memory_space<hbm>> -> memref<1x32x1024xf32, #tpu.memory_space<hbm>>
    %dma_wait3A_219 = tpu.memref_squeeze %dma_wait3A_218 : memref<1x32x1024xf32, #tpu.memory_space<hbm>> -> memref<32x1024xf32, #tpu.memory_space<hbm>>
    tpu.wait_dma2 semaphore(%arg14 : memref<!tpu.dma_semaphore, #tpu.memory_space<semaphore_mem>>) src(%arg9 : memref<32x1024xf32, #tpu.memory_space<vmem>>) dst(%dma_wait3A_219 : memref<32x1024xf32, #tpu.memory_space<hbm>>)
    %add3A_220 = arith.constant 32 : i32
    %add3A_221 = arith.addi %mul3A_2, %add3A_220 : i32
    %dma_start3A_222 = arith.constant 2 : i32
    %dma_start3A_223 = arith.constant 0 : i32
    %dma_start3A_224 = tpu.memref_slice %arg2[%dma_start3A_222, %add3A_221, %dma_start3A_223] : memref<4x2048x1024xf32, #tpu.memory_space<hbm>> -> memref<1x32x1024xf32, #tpu.memory_space<hbm>>
    %dma_start3A_225 = tpu.memref_squeeze %dma_start3A_224 : memref<1x32x1024xf32, #tpu.memory_space<hbm>> -> memref<32x1024xf32, #tpu.memory_space<hbm>>
    %dma_start3A_226 = arith.constant 0 : i32
    %dma_start3A_227 = tpu.memref_slice %arg2[%dma_start3A_222, %add3A_221, %dma_start3A_226] : memref<4x2048x1024xf32, #tpu.memory_space<hbm>> -> memref<1x32x1024xf32, #tpu.memory_space<hbm>>
    %dma_start3A_228 = tpu.memref_squeeze %dma_start3A_227 : memref<1x32x1024xf32, #tpu.memory_space<hbm>> -> memref<32x1024xf32, #tpu.memory_space<hbm>>
    tpu.enqueue_dma source(%dma_start3A_228 : memref<32x1024xf32, #tpu.memory_space<hbm>>) target(%arg9 : memref<32x1024xf32, #tpu.memory_space<vmem>>) target_semaphore(%arg12 : memref<!tpu.dma_semaphore, #tpu.memory_space<semaphore_mem>>)
    %dma_wait3A_229 = arith.constant 1 : i32
    %dma_wait3A_230 = arith.constant 0 : i32
    %dma_wait3A_231 = tpu.memref_slice %arg2[%dma_wait3A_229, %add3A_179, %dma_wait3A_230] : memref<4x2048x1024xf32, #tpu.memory_space<hbm>> -> memref<1x32x1024xf32, #tpu.memory_space<hbm>>
    %dma_wait3A_232 = tpu.memref_squeeze %dma_wait3A_231 : memref<1x32x1024xf32, #tpu.memory_space<hbm>> -> memref<32x1024xf32, #tpu.memory_space<hbm>>
    %dma_wait3A_233 = arith.constant 0 : i32
    %dma_wait3A_234 = tpu.memref_slice %arg2[%dma_wait3A_229, %add3A_179, %dma_wait3A_233] : memref<4x2048x1024xf32, #tpu.memory_space<hbm>> -> memref<1x32x1024xf32, #tpu.memory_space<hbm>>
    %dma_wait3A_235 = tpu.memref_squeeze %dma_wait3A_234 : memref<1x32x1024xf32, #tpu.memory_space<hbm>> -> memref<32x1024xf32, #tpu.memory_space<hbm>>
    tpu.wait_dma2 semaphore(%arg13 : memref<!tpu.dma_semaphore, #tpu.memory_space<semaphore_mem>>) src(%dma_wait3A_235 : memref<32x1024xf32, #tpu.memory_space<hbm>>) dst(%arg10 : memref<32x1024xf32, #tpu.memory_space<vmem>>)
    %scan3A_236 = arith.constant 0 : i32
    %scan3A_237 = arith.constant 0 : i32
    %scan3A_238 = arith.constant 512 : i32
    %scan3A_239 = arith.addi %scan3A_237, %scan3A_238 : i32
    %scan3A_240 = arith.constant 1 : i32
    %scan3A_241 = scf.for %scan3A_328 = %scan3A_237 to %scan3A_239 step %scan3A_240 iter_args(%scan3A_329 = %scan3A_236) -> (i32)  : i32 {
      %jit3A = arith.constant 16 : i32
      %div3A = arith.divsi %scan3A_328, %jit3A : i32
      %sign3A = arith.constant 0 : i32
      %sign3A_330 = arith.cmpi sgt, %scan3A_328, %sign3A : i32
      %sign3A_331 = arith.extui %sign3A_330 : i1 to i32
      %sign3A_332 = arith.constant 0 : i32
      %sign3A_333 = arith.cmpi slt, %scan3A_328, %sign3A_332 : i32
      %sign3A_334 = arith.extui %sign3A_333 : i1 to i32
      %sign3A_335 = arith.subi %sign3A_331, %sign3A_334 : i32
      %sign3A_336 = arith.constant 0 : i32
      %sign3A_337 = arith.cmpi sgt, %jit3A, %sign3A_336 : i32
      %sign3A_338 = arith.extui %sign3A_337 : i1 to i32
      %sign3A_339 = arith.constant 0 : i32
      %sign3A_340 = arith.cmpi slt, %jit3A, %sign3A_339 : i32
      %sign3A_341 = arith.extui %sign3A_340 : i1 to i32
      %sign3A_342 = arith.subi %sign3A_338, %sign3A_341 : i32
      %ne3A = arith.cmpi ne, %sign3A_335, %sign3A_342 : i32
      %rem3A = arith.remsi %scan3A_328, %jit3A : i32
      %ne3A_343 = arith.constant 0 : i32
      %ne3A_344 = arith.cmpi ne, %rem3A, %ne3A_343 : i32
      %and3A = arith.andi %ne3A, %ne3A_344 : i1
      %sub3A = arith.constant 1 : i32
      %sub3A_345 = arith.subi %div3A, %sub3A : i32
      %select_n3A = arith.select %and3A, %sub3A_345, %div3A : i32
      %jit3A_346 = arith.constant 16 : i32
      %eq3A = arith.constant 0 : i32
      %eq3A_347 = arith.cmpi eq, %jit3A_346, %eq3A : i32
      %jit3A_348 = arith.constant 1 : i32
      %select_n3A_349 = arith.select %eq3A_347, %jit3A_348, %jit3A_346 : i32
      %rem3A_350 = arith.remsi %scan3A_328, %select_n3A_349 : i32
      %ne3A_351 = arith.constant 0 : i32
      %ne3A_352 = arith.cmpi ne, %rem3A_350, %ne3A_351 : i32
      %lt3A = arith.constant 0 : i32
      %lt3A_353 = arith.cmpi slt, %rem3A_350, %lt3A : i32
      %lt3A_354 = arith.constant 0 : i32
      %lt3A_355 = arith.cmpi slt, %select_n3A_349, %lt3A_354 : i32
      %ne3A_356 = arith.xori %lt3A_353, %lt3A_355 : i1
      %and3A_357 = arith.andi %ne3A_356, %ne3A_352 : i1
      %add3A_358 = arith.addi %rem3A_350, %select_n3A_349 : i32
      %select_n3A_359 = arith.select %and3A_357, %add3A_358, %rem3A_350 : i32
      %mul3A_360 = arith.constant 4 : i32
      %mul3A_361 = arith.muli %select_n3A_359, %mul3A_360 : i32
      %add3A_362 = arith.constant 0 : i32
      %add3A_363 = arith.addi %mul3A_361, %add3A_362 : i32
      %mul3A_364 = arith.constant 16 : i32
      %mul3A_365 = arith.muli %add3A_363, %mul3A_364 : i32
      %add3A_366 = arith.constant 0 : i32
      %add3A_367 = arith.addi %mul3A_361, %add3A_366 : i32
      %mul3A_368 = arith.constant 16 : i32
      %mul3A_369 = arith.muli %add3A_367, %mul3A_368 : i32
      %get3A = arith.index_cast %select_n3A : i32 to index
      %get3A_370 = arith.index_cast %mul3A_369 : i32 to index
      %get3A_371 = tpu.vector_load %arg8[%get3A, %get3A_370] {strides = array<i32>} : memref<32x1024xf32, #tpu.memory_space<vmem>>, vector<1x16xf32>,
      %get3A_372 = vector.shape_cast %get3A_371 : vector<1x16xf32> to vector<16xf32>
      %swap3A = arith.index_cast %select_n3A : i32 to index
      %swap3A_373 = arith.index_cast %mul3A_365 : i32 to index
      %swap3A_374 = tpu.vector_load %arg10[%swap3A, %swap3A_373] {strides = array<i32>} : memref<32x1024xf32, #tpu.memory_space<vmem>>, vector<1x16xf32>,
      %swap3A_375 = vector.shape_cast %swap3A_374 : vector<1x16xf32> to vector<16xf32>
      %swap3A_376 = vector.shape_cast %get3A_372 : vector<16xf32> to vector<1x16xf32>
      tpu.vector_store %arg10[%swap3A, %swap3A_373], %swap3A_376 {add = true, strides = array<i32>} : memref<32x1024xf32, #tpu.memory_space<vmem>>, vector<1x16xf32>,
      %add3A_377 = arith.constant 1 : i32
      %add3A_378 = arith.addi %mul3A_361, %add3A_377 : i32
      %mul3A_379 = arith.constant 16 : i32
      %mul3A_380 = arith.muli %add3A_378, %mul3A_379 : i32
      %add3A_381 = arith.constant 1 : i32
      %add3A_382 = arith.addi %mul3A_361, %add3A_381 : i32
      %mul3A_383 = arith.constant 16 : i32
      %mul3A_384 = arith.muli %add3A_382, %mul3A_383 : i32
      %get3A_385 = arith.index_cast %select_n3A : i32 to index
      %get3A_386 = arith.index_cast %mul3A_384 : i32 to index
      %get3A_387 = tpu.vector_load %arg8[%get3A_385, %get3A_386] {strides = array<i32>} : memref<32x1024xf32, #tpu.memory_space<vmem>>, vector<1x16xf32>,
      %get3A_388 = vector.shape_cast %get3A_387 : vector<1x16xf32> to vector<16xf32>
      %swap3A_389 = arith.index_cast %select_n3A : i32 to index
      %swap3A_390 = arith.index_cast %mul3A_380 : i32 to index
      %swap3A_391 = tpu.vector_load %arg10[%swap3A_389, %swap3A_390] {strides = array<i32>} : memref<32x1024xf32, #tpu.memory_space<vmem>>, vector<1x16xf32>,
      %swap3A_392 = vector.shape_cast %swap3A_391 : vector<1x16xf32> to vector<16xf32>
      %swap3A_393 = vector.shape_cast %get3A_388 : vector<16xf32> to vector<1x16xf32>
      tpu.vector_store %arg10[%swap3A_389, %swap3A_390], %swap3A_393 {add = true, strides = array<i32>} : memref<32x1024xf32, #tpu.memory_space<vmem>>, vector<1x16xf32>,
      %add3A_394 = arith.constant 2 : i32
      %add3A_395 = arith.addi %mul3A_361, %add3A_394 : i32
      %mul3A_396 = arith.constant 16 : i32
      %mul3A_397 = arith.muli %add3A_395, %mul3A_396 : i32
      %add3A_398 = arith.constant 2 : i32
      %add3A_399 = arith.addi %mul3A_361, %add3A_398 : i32
      %mul3A_400 = arith.constant 16 : i32
      %mul3A_401 = arith.muli %add3A_399, %mul3A_400 : i32
      %get3A_402 = arith.index_cast %select_n3A : i32 to index
      %get3A_403 = arith.index_cast %mul3A_401 : i32 to index
      %get3A_404 = tpu.vector_load %arg8[%get3A_402, %get3A_403] {strides = array<i32>} : memref<32x1024xf32, #tpu.memory_space<vmem>>, vector<1x16xf32>,
      %get3A_405 = vector.shape_cast %get3A_404 : vector<1x16xf32> to vector<16xf32>
      %swap3A_406 = arith.index_cast %select_n3A : i32 to index
      %swap3A_407 = arith.index_cast %mul3A_397 : i32 to index
      %swap3A_408 = tpu.vector_load %arg10[%swap3A_406, %swap3A_407] {strides = array<i32>} : memref<32x1024xf32, #tpu.memory_space<vmem>>, vector<1x16xf32>,
      %swap3A_409 = vector.shape_cast %swap3A_408 : vector<1x16xf32> to vector<16xf32>
      %swap3A_410 = vector.shape_cast %get3A_405 : vector<16xf32> to vector<1x16xf32>
      tpu.vector_store %arg10[%swap3A_406, %swap3A_407], %swap3A_410 {add = true, strides = array<i32>} : memref<32x1024xf32, #tpu.memory_space<vmem>>, vector<1x16xf32>,
      %add3A_411 = arith.constant 3 : i32
      %add3A_412 = arith.addi %mul3A_361, %add3A_411 : i32
      %mul3A_413 = arith.constant 16 : i32
      %mul3A_414 = arith.muli %add3A_412, %mul3A_413 : i32
      %add3A_415 = arith.constant 3 : i32
      %add3A_416 = arith.addi %mul3A_361, %add3A_415 : i32
      %mul3A_417 = arith.constant 16 : i32
      %mul3A_418 = arith.muli %add3A_416, %mul3A_417 : i32
      %get3A_419 = arith.index_cast %select_n3A : i32 to index
      %get3A_420 = arith.index_cast %mul3A_418 : i32 to index
      %get3A_421 = tpu.vector_load %arg8[%get3A_419, %get3A_420] {strides = array<i32>} : memref<32x1024xf32, #tpu.memory_space<vmem>>, vector<1x16xf32>,
      %get3A_422 = vector.shape_cast %get3A_421 : vector<1x16xf32> to vector<16xf32>
      %swap3A_423 = arith.index_cast %select_n3A : i32 to index
      %swap3A_424 = arith.index_cast %mul3A_414 : i32 to index
      %swap3A_425 = tpu.vector_load %arg10[%swap3A_423, %swap3A_424] {strides = array<i32>} : memref<32x1024xf32, #tpu.memory_space<vmem>>, vector<1x16xf32>,
      %swap3A_426 = vector.shape_cast %swap3A_425 : vector<1x16xf32> to vector<16xf32>
      %swap3A_427 = vector.shape_cast %get3A_422 : vector<16xf32> to vector<1x16xf32>
      tpu.vector_store %arg10[%swap3A_423, %swap3A_424], %swap3A_427 {add = true, strides = array<i32>} : memref<32x1024xf32, #tpu.memory_space<vmem>>, vector<1x16xf32>,
      %scan3A_428 = arith.constant 0 : i32
      scf.yield %scan3A_428 : i32
    }
    %scan3A_242 = arith.constant 512 : i32
    %add3A_243 = arith.constant 32 : i32
    %add3A_244 = arith.addi %mul3A_2, %add3A_243 : i32
    %dma_start3A_245 = arith.constant 1 : i32
    %dma_start3A_246 = arith.constant 0 : i32
    %dma_start3A_247 = tpu.memref_slice %arg5[%dma_start3A_245, %add3A_244, %dma_start3A_246] : memref<4x2048x1024xf32, #tpu.memory_space<hbm>> -> memref<1x32x1024xf32, #tpu.memory_space<hbm>>
    %dma_start3A_248 = tpu.memref_squeeze %dma_start3A_247 : memref<1x32x1024xf32, #tpu.memory_space<hbm>> -> memref<32x1024xf32, #tpu.memory_space<hbm>>
    %dma_start3A_249 = arith.constant 0 : i32
    %dma_start3A_250 = tpu.memref_slice %arg5[%dma_start3A_245, %add3A_244, %dma_start3A_249] : memref<4x2048x1024xf32, #tpu.memory_space<hbm>> -> memref<1x32x1024xf32, #tpu.memory_space<hbm>>
    %dma_start3A_251 = tpu.memref_squeeze %dma_start3A_250 : memref<1x32x1024xf32, #tpu.memory_space<hbm>> -> memref<32x1024xf32, #tpu.memory_space<hbm>>
    tpu.enqueue_dma source(%arg10 : memref<32x1024xf32, #tpu.memory_space<vmem>>) target(%dma_start3A_251 : memref<32x1024xf32, #tpu.memory_space<hbm>>) target_semaphore(%arg15 : memref<!tpu.dma_semaphore, #tpu.memory_space<semaphore_mem>>)
    %dma_wait3A_252 = arith.constant 1 : i32
    %dma_wait3A_253 = arith.constant 0 : i32
    %dma_wait3A_254 = tpu.memref_slice %arg5[%dma_wait3A_252, %add3A_244, %dma_wait3A_253] : memref<4x2048x1024xf32, #tpu.memory_space<hbm>> -> memref<1x32x1024xf32, #tpu.memory_space<hbm>>
    %dma_wait3A_255 = tpu.memref_squeeze %dma_wait3A_254 : memref<1x32x1024xf32, #tpu.memory_space<hbm>> -> memref<32x1024xf32, #tpu.memory_space<hbm>>
    %dma_wait3A_256 = arith.constant 0 : i32
    %dma_wait3A_257 = tpu.memref_slice %arg5[%dma_wait3A_252, %add3A_244, %dma_wait3A_256] : memref<4x2048x1024xf32, #tpu.memory_space<hbm>> -> memref<1x32x1024xf32, #tpu.memory_space<hbm>>
    %dma_wait3A_258 = tpu.memref_squeeze %dma_wait3A_257 : memref<1x32x1024xf32, #tpu.memory_space<hbm>> -> memref<32x1024xf32, #tpu.memory_space<hbm>>
    tpu.wait_dma2 semaphore(%arg15 : memref<!tpu.dma_semaphore, #tpu.memory_space<semaphore_mem>>) src(%arg10 : memref<32x1024xf32, #tpu.memory_space<vmem>>) dst(%dma_wait3A_258 : memref<32x1024xf32, #tpu.memory_space<hbm>>)
    %add3A_259 = arith.constant 32 : i32
    %add3A_260 = arith.addi %mul3A_2, %add3A_259 : i32
    %dma_start3A_261 = arith.constant 3 : i32
    %dma_start3A_262 = arith.constant 0 : i32
    %dma_start3A_263 = tpu.memref_slice %arg2[%dma_start3A_261, %add3A_260, %dma_start3A_262] : memref<4x2048x1024xf32, #tpu.memory_space<hbm>> -> memref<1x32x1024xf32, #tpu.memory_space<hbm>>
    %dma_start3A_264 = tpu.memref_squeeze %dma_start3A_263 : memref<1x32x1024xf32, #tpu.memory_space<hbm>> -> memref<32x1024xf32, #tpu.memory_space<hbm>>
    %dma_start3A_265 = arith.constant 0 : i32
    %dma_start3A_266 = tpu.memref_slice %arg2[%dma_start3A_261, %add3A_260, %dma_start3A_265] : memref<4x2048x1024xf32, #tpu.memory_space<hbm>> -> memref<1x32x1024xf32, #tpu.memory_space<hbm>>
    %dma_start3A_267 = tpu.memref_squeeze %dma_start3A_266 : memref<1x32x1024xf32, #tpu.memory_space<hbm>> -> memref<32x1024xf32, #tpu.memory_space<hbm>>
    tpu.enqueue_dma source(%dma_start3A_267 : memref<32x1024xf32, #tpu.memory_space<hbm>>) target(%arg10 : memref<32x1024xf32, #tpu.memory_space<vmem>>) target_semaphore(%arg13 : memref<!tpu.dma_semaphore, #tpu.memory_space<semaphore_mem>>)
    %dma_wait3A_268 = arith.constant 2 : i32
    %dma_wait3A_269 = arith.constant 0 : i32
    %dma_wait3A_270 = tpu.memref_slice %arg2[%dma_wait3A_268, %add3A_221, %dma_wait3A_269] : memref<4x2048x1024xf32, #tpu.memory_space<hbm>> -> memref<1x32x1024xf32, #tpu.memory_space<hbm>>
    %dma_wait3A_271 = tpu.memref_squeeze %dma_wait3A_270 : memref<1x32x1024xf32, #tpu.memory_space<hbm>> -> memref<32x1024xf32, #tpu.memory_space<hbm>>
    %dma_wait3A_272 = arith.constant 0 : i32
    %dma_wait3A_273 = tpu.memref_slice %arg2[%dma_wait3A_268, %add3A_221, %dma_wait3A_272] : memref<4x2048x1024xf32, #tpu.memory_space<hbm>> -> memref<1x32x1024xf32, #tpu.memory_space<hbm>>
    %dma_wait3A_274 = tpu.memref_squeeze %dma_wait3A_273 : memref<1x32x1024xf32, #tpu.memory_space<hbm>> -> memref<32x1024xf32, #tpu.memory_space<hbm>>
    tpu.wait_dma2 semaphore(%arg12 : memref<!tpu.dma_semaphore, #tpu.memory_space<semaphore_mem>>) src(%dma_wait3A_274 : memref<32x1024xf32, #tpu.memory_space<hbm>>) dst(%arg9 : memref<32x1024xf32, #tpu.memory_space<vmem>>)
    %scan3A_275 = arith.constant 0 : i32
    %scan3A_276 = arith.constant 0 : i32
    %scan3A_277 = arith.constant 512 : i32
    %scan3A_278 = arith.addi %scan3A_276, %scan3A_277 : i32
    %scan3A_279 = arith.constant 1 : i32
    %scan3A_280 = scf.for %scan3A_328 = %scan3A_276 to %scan3A_278 step %scan3A_279 iter_args(%scan3A_329 = %scan3A_275) -> (i32)  : i32 {
      %jit3A = arith.constant 16 : i32
      %div3A = arith.divsi %scan3A_328, %jit3A : i32
      %sign3A = arith.constant 0 : i32
      %sign3A_330 = arith.cmpi sgt, %scan3A_328, %sign3A : i32
      %sign3A_331 = arith.extui %sign3A_330 : i1 to i32
      %sign3A_332 = arith.constant 0 : i32
      %sign3A_333 = arith.cmpi slt, %scan3A_328, %sign3A_332 : i32
      %sign3A_334 = arith.extui %sign3A_333 : i1 to i32
      %sign3A_335 = arith.subi %sign3A_331, %sign3A_334 : i32
      %sign3A_336 = arith.constant 0 : i32
      %sign3A_337 = arith.cmpi sgt, %jit3A, %sign3A_336 : i32
      %sign3A_338 = arith.extui %sign3A_337 : i1 to i32
      %sign3A_339 = arith.constant 0 : i32
      %sign3A_340 = arith.cmpi slt, %jit3A, %sign3A_339 : i32
      %sign3A_341 = arith.extui %sign3A_340 : i1 to i32
      %sign3A_342 = arith.subi %sign3A_338, %sign3A_341 : i32
      %ne3A = arith.cmpi ne, %sign3A_335, %sign3A_342 : i32
      %rem3A = arith.remsi %scan3A_328, %jit3A : i32
      %ne3A_343 = arith.constant 0 : i32
      %ne3A_344 = arith.cmpi ne, %rem3A, %ne3A_343 : i32
      %and3A = arith.andi %ne3A, %ne3A_344 : i1
      %sub3A = arith.constant 1 : i32
      %sub3A_345 = arith.subi %div3A, %sub3A : i32
      %select_n3A = arith.select %and3A, %sub3A_345, %div3A : i32
      %jit3A_346 = arith.constant 16 : i32
      %eq3A = arith.constant 0 : i32
      %eq3A_347 = arith.cmpi eq, %jit3A_346, %eq3A : i32
      %jit3A_348 = arith.constant 1 : i32
      %select_n3A_349 = arith.select %eq3A_347, %jit3A_348, %jit3A_346 : i32
      %rem3A_350 = arith.remsi %scan3A_328, %select_n3A_349 : i32
      %ne3A_351 = arith.constant 0 : i32
      %ne3A_352 = arith.cmpi ne, %rem3A_350, %ne3A_351 : i32
      %lt3A = arith.constant 0 : i32
      %lt3A_353 = arith.cmpi slt, %rem3A_350, %lt3A : i32
      %lt3A_354 = arith.constant 0 : i32
      %lt3A_355 = arith.cmpi slt, %select_n3A_349, %lt3A_354 : i32
      %ne3A_356 = arith.xori %lt3A_353, %lt3A_355 : i1
      %and3A_357 = arith.andi %ne3A_356, %ne3A_352 : i1
      %add3A_358 = arith.addi %rem3A_350, %select_n3A_349 : i32
      %select_n3A_359 = arith.select %and3A_357, %add3A_358, %rem3A_350 : i32
      %mul3A_360 = arith.constant 4 : i32
      %mul3A_361 = arith.muli %select_n3A_359, %mul3A_360 : i32
      %add3A_362 = arith.constant 0 : i32
      %add3A_363 = arith.addi %mul3A_361, %add3A_362 : i32
      %mul3A_364 = arith.constant 16 : i32
      %mul3A_365 = arith.muli %add3A_363, %mul3A_364 : i32
      %add3A_366 = arith.constant 0 : i32
      %add3A_367 = arith.addi %mul3A_361, %add3A_366 : i32
      %mul3A_368 = arith.constant 16 : i32
      %mul3A_369 = arith.muli %add3A_367, %mul3A_368 : i32
      %get3A = arith.index_cast %select_n3A : i32 to index
      %get3A_370 = arith.index_cast %mul3A_369 : i32 to index
      %get3A_371 = tpu.vector_load %arg8[%get3A, %get3A_370] {strides = array<i32>} : memref<32x1024xf32, #tpu.memory_space<vmem>>, vector<1x16xf32>,
      %get3A_372 = vector.shape_cast %get3A_371 : vector<1x16xf32> to vector<16xf32>
      %swap3A = arith.index_cast %select_n3A : i32 to index
      %swap3A_373 = arith.index_cast %mul3A_365 : i32 to index
      %swap3A_374 = tpu.vector_load %arg9[%swap3A, %swap3A_373] {strides = array<i32>} : memref<32x1024xf32, #tpu.memory_space<vmem>>, vector<1x16xf32>,
      %swap3A_375 = vector.shape_cast %swap3A_374 : vector<1x16xf32> to vector<16xf32>
      %swap3A_376 = vector.shape_cast %get3A_372 : vector<16xf32> to vector<1x16xf32>
      tpu.vector_store %arg9[%swap3A, %swap3A_373], %swap3A_376 {add = true, strides = array<i32>} : memref<32x1024xf32, #tpu.memory_space<vmem>>, vector<1x16xf32>,
      %add3A_377 = arith.constant 1 : i32
      %add3A_378 = arith.addi %mul3A_361, %add3A_377 : i32
      %mul3A_379 = arith.constant 16 : i32
      %mul3A_380 = arith.muli %add3A_378, %mul3A_379 : i32
      %add3A_381 = arith.constant 1 : i32
      %add3A_382 = arith.addi %mul3A_361, %add3A_381 : i32
      %mul3A_383 = arith.constant 16 : i32
      %mul3A_384 = arith.muli %add3A_382, %mul3A_383 : i32
      %get3A_385 = arith.index_cast %select_n3A : i32 to index
      %get3A_386 = arith.index_cast %mul3A_384 : i32 to index
      %get3A_387 = tpu.vector_load %arg8[%get3A_385, %get3A_386] {strides = array<i32>} : memref<32x1024xf32, #tpu.memory_space<vmem>>, vector<1x16xf32>,
      %get3A_388 = vector.shape_cast %get3A_387 : vector<1x16xf32> to vector<16xf32>
      %swap3A_389 = arith.index_cast %select_n3A : i32 to index
      %swap3A_390 = arith.index_cast %mul3A_380 : i32 to index
      %swap3A_391 = tpu.vector_load %arg9[%swap3A_389, %swap3A_390] {strides = array<i32>} : memref<32x1024xf32, #tpu.memory_space<vmem>>, vector<1x16xf32>,
      %swap3A_392 = vector.shape_cast %swap3A_391 : vector<1x16xf32> to vector<16xf32>
      %swap3A_393 = vector.shape_cast %get3A_388 : vector<16xf32> to vector<1x16xf32>
      tpu.vector_store %arg9[%swap3A_389, %swap3A_390], %swap3A_393 {add = true, strides = array<i32>} : memref<32x1024xf32, #tpu.memory_space<vmem>>, vector<1x16xf32>,
      %add3A_394 = arith.constant 2 : i32
      %add3A_395 = arith.addi %mul3A_361, %add3A_394 : i32
      %mul3A_396 = arith.constant 16 : i32
      %mul3A_397 = arith.muli %add3A_395, %mul3A_396 : i32
      %add3A_398 = arith.constant 2 : i32
      %add3A_399 = arith.addi %mul3A_361, %add3A_398 : i32
      %mul3A_400 = arith.constant 16 : i32
      %mul3A_401 = arith.muli %add3A_399, %mul3A_400 : i32
      %get3A_402 = arith.index_cast %select_n3A : i32 to index
      %get3A_403 = arith.index_cast %mul3A_401 : i32 to index
      %get3A_404 = tpu.vector_load %arg8[%get3A_402, %get3A_403] {strides = array<i32>} : memref<32x1024xf32, #tpu.memory_space<vmem>>, vector<1x16xf32>,
      %get3A_405 = vector.shape_cast %get3A_404 : vector<1x16xf32> to vector<16xf32>
      %swap3A_406 = arith.index_cast %select_n3A : i32 to index
      %swap3A_407 = arith.index_cast %mul3A_397 : i32 to index
      %swap3A_408 = tpu.vector_load %arg9[%swap3A_406, %swap3A_407] {strides = array<i32>} : memref<32x1024xf32, #tpu.memory_space<vmem>>, vector<1x16xf32>,
      %swap3A_409 = vector.shape_cast %swap3A_408 : vector<1x16xf32> to vector<16xf32>
      %swap3A_410 = vector.shape_cast %get3A_405 : vector<16xf32> to vector<1x16xf32>
      tpu.vector_store %arg9[%swap3A_406, %swap3A_407], %swap3A_410 {add = true, strides = array<i32>} : memref<32x1024xf32, #tpu.memory_space<vmem>>, vector<1x16xf32>,
      %add3A_411 = arith.constant 3 : i32
      %add3A_412 = arith.addi %mul3A_361, %add3A_411 : i32
      %mul3A_413 = arith.constant 16 : i32
      %mul3A_414 = arith.muli %add3A_412, %mul3A_413 : i32
      %add3A_415 = arith.constant 3 : i32
      %add3A_416 = arith.addi %mul3A_361, %add3A_415 : i32
      %mul3A_417 = arith.constant 16 : i32
      %mul3A_418 = arith.muli %add3A_416, %mul3A_417 : i32
      %get3A_419 = arith.index_cast %select_n3A : i32 to index
      %get3A_420 = arith.index_cast %mul3A_418 : i32 to index
      %get3A_421 = tpu.vector_load %arg8[%get3A_419, %get3A_420] {strides = array<i32>} : memref<32x1024xf32, #tpu.memory_space<vmem>>, vector<1x16xf32>,
      %get3A_422 = vector.shape_cast %get3A_421 : vector<1x16xf32> to vector<16xf32>
      %swap3A_423 = arith.index_cast %select_n3A : i32 to index
      %swap3A_424 = arith.index_cast %mul3A_414 : i32 to index
      %swap3A_425 = tpu.vector_load %arg9[%swap3A_423, %swap3A_424] {strides = array<i32>} : memref<32x1024xf32, #tpu.memory_space<vmem>>, vector<1x16xf32>,
      %swap3A_426 = vector.shape_cast %swap3A_425 : vector<1x16xf32> to vector<16xf32>
      %swap3A_427 = vector.shape_cast %get3A_422 : vector<16xf32> to vector<1x16xf32>
      tpu.vector_store %arg9[%swap3A_423, %swap3A_424], %swap3A_427 {add = true, strides = array<i32>} : memref<32x1024xf32, #tpu.memory_space<vmem>>, vector<1x16xf32>,
      %scan3A_428 = arith.constant 0 : i32
      scf.yield %scan3A_428 : i32
    }
    %scan3A_281 = arith.constant 512 : i32
    %add3A_282 = arith.constant 32 : i32
    %add3A_283 = arith.addi %mul3A_2, %add3A_282 : i32
    %dma_start3A_284 = arith.constant 2 : i32
    %dma_start3A_285 = arith.constant 0 : i32
    %dma_start3A_286 = tpu.memref_slice %arg5[%dma_start3A_284, %add3A_283, %dma_start3A_285] : memref<4x2048x1024xf32, #tpu.memory_space<hbm>> -> memref<1x32x1024xf32, #tpu.memory_space<hbm>>
    %dma_start3A_287 = tpu.memref_squeeze %dma_start3A_286 : memref<1x32x1024xf32, #tpu.memory_space<hbm>> -> memref<32x1024xf32, #tpu.memory_space<hbm>>
    %dma_start3A_288 = arith.constant 0 : i32
    %dma_start3A_289 = tpu.memref_slice %arg5[%dma_start3A_284, %add3A_283, %dma_start3A_288] : memref<4x2048x1024xf32, #tpu.memory_space<hbm>> -> memref<1x32x1024xf32, #tpu.memory_space<hbm>>
    %dma_start3A_290 = tpu.memref_squeeze %dma_start3A_289 : memref<1x32x1024xf32, #tpu.memory_space<hbm>> -> memref<32x1024xf32, #tpu.memory_space<hbm>>
    tpu.enqueue_dma source(%arg9 : memref<32x1024xf32, #tpu.memory_space<vmem>>) target(%dma_start3A_290 : memref<32x1024xf32, #tpu.memory_space<hbm>>) target_semaphore(%arg14 : memref<!tpu.dma_semaphore, #tpu.memory_space<semaphore_mem>>)
    %dma_wait3A_291 = arith.constant 3 : i32
    %dma_wait3A_292 = arith.constant 0 : i32
    %dma_wait3A_293 = tpu.memref_slice %arg2[%dma_wait3A_291, %add3A_260, %dma_wait3A_292] : memref<4x2048x1024xf32, #tpu.memory_space<hbm>> -> memref<1x32x1024xf32, #tpu.memory_space<hbm>>
    %dma_wait3A_294 = tpu.memref_squeeze %dma_wait3A_293 : memref<1x32x1024xf32, #tpu.memory_space<hbm>> -> memref<32x1024xf32, #tpu.memory_space<hbm>>
    %dma_wait3A_295 = arith.constant 0 : i32
    %dma_wait3A_296 = tpu.memref_slice %arg2[%dma_wait3A_291, %add3A_260, %dma_wait3A_295] : memref<4x2048x1024xf32, #tpu.memory_space<hbm>> -> memref<1x32x1024xf32, #tpu.memory_space<hbm>>
    %dma_wait3A_297 = tpu.memref_squeeze %dma_wait3A_296 : memref<1x32x1024xf32, #tpu.memory_space<hbm>> -> memref<32x1024xf32, #tpu.memory_space<hbm>>
    tpu.wait_dma2 semaphore(%arg13 : memref<!tpu.dma_semaphore, #tpu.memory_space<semaphore_mem>>) src(%dma_wait3A_297 : memref<32x1024xf32, #tpu.memory_space<hbm>>) dst(%arg10 : memref<32x1024xf32, #tpu.memory_space<vmem>>)
    %scan3A_298 = arith.constant 0 : i32
    %scan3A_299 = arith.constant 0 : i32
    %scan3A_300 = arith.constant 512 : i32
    %scan3A_301 = arith.addi %scan3A_299, %scan3A_300 : i32
    %scan3A_302 = arith.constant 1 : i32
    %scan3A_303 = scf.for %scan3A_328 = %scan3A_299 to %scan3A_301 step %scan3A_302 iter_args(%scan3A_329 = %scan3A_298) -> (i32)  : i32 {
      %jit3A = arith.constant 16 : i32
      %div3A = arith.divsi %scan3A_328, %jit3A : i32
      %sign3A = arith.constant 0 : i32
      %sign3A_330 = arith.cmpi sgt, %scan3A_328, %sign3A : i32
      %sign3A_331 = arith.extui %sign3A_330 : i1 to i32
      %sign3A_332 = arith.constant 0 : i32
      %sign3A_333 = arith.cmpi slt, %scan3A_328, %sign3A_332 : i32
      %sign3A_334 = arith.extui %sign3A_333 : i1 to i32
      %sign3A_335 = arith.subi %sign3A_331, %sign3A_334 : i32
      %sign3A_336 = arith.constant 0 : i32
      %sign3A_337 = arith.cmpi sgt, %jit3A, %sign3A_336 : i32
      %sign3A_338 = arith.extui %sign3A_337 : i1 to i32
      %sign3A_339 = arith.constant 0 : i32
      %sign3A_340 = arith.cmpi slt, %jit3A, %sign3A_339 : i32
      %sign3A_341 = arith.extui %sign3A_340 : i1 to i32
      %sign3A_342 = arith.subi %sign3A_338, %sign3A_341 : i32
      %ne3A = arith.cmpi ne, %sign3A_335, %sign3A_342 : i32
      %rem3A = arith.remsi %scan3A_328, %jit3A : i32
      %ne3A_343 = arith.constant 0 : i32
      %ne3A_344 = arith.cmpi ne, %rem3A, %ne3A_343 : i32
      %and3A = arith.andi %ne3A, %ne3A_344 : i1
      %sub3A = arith.constant 1 : i32
      %sub3A_345 = arith.subi %div3A, %sub3A : i32
      %select_n3A = arith.select %and3A, %sub3A_345, %div3A : i32
      %jit3A_346 = arith.constant 16 : i32
      %eq3A = arith.constant 0 : i32
      %eq3A_347 = arith.cmpi eq, %jit3A_346, %eq3A : i32
      %jit3A_348 = arith.constant 1 : i32
      %select_n3A_349 = arith.select %eq3A_347, %jit3A_348, %jit3A_346 : i32
      %rem3A_350 = arith.remsi %scan3A_328, %select_n3A_349 : i32
      %ne3A_351 = arith.constant 0 : i32
      %ne3A_352 = arith.cmpi ne, %rem3A_350, %ne3A_351 : i32
      %lt3A = arith.constant 0 : i32
      %lt3A_353 = arith.cmpi slt, %rem3A_350, %lt3A : i32
      %lt3A_354 = arith.constant 0 : i32
      %lt3A_355 = arith.cmpi slt, %select_n3A_349, %lt3A_354 : i32
      %ne3A_356 = arith.xori %lt3A_353, %lt3A_355 : i1
      %and3A_357 = arith.andi %ne3A_356, %ne3A_352 : i1
      %add3A_358 = arith.addi %rem3A_350, %select_n3A_349 : i32
      %select_n3A_359 = arith.select %and3A_357, %add3A_358, %rem3A_350 : i32
      %mul3A_360 = arith.constant 4 : i32
      %mul3A_361 = arith.muli %select_n3A_359, %mul3A_360 : i32
      %add3A_362 = arith.constant 0 : i32
      %add3A_363 = arith.addi %mul3A_361, %add3A_362 : i32
      %mul3A_364 = arith.constant 16 : i32
      %mul3A_365 = arith.muli %add3A_363, %mul3A_364 : i32
      %add3A_366 = arith.constant 0 : i32
      %add3A_367 = arith.addi %mul3A_361, %add3A_366 : i32
      %mul3A_368 = arith.constant 16 : i32
      %mul3A_369 = arith.muli %add3A_367, %mul3A_368 : i32
      %get3A = arith.index_cast %select_n3A : i32 to index
      %get3A_370 = arith.index_cast %mul3A_369 : i32 to index
      %get3A_371 = tpu.vector_load %arg8[%get3A, %get3A_370] {strides = array<i32>} : memref<32x1024xf32, #tpu.memory_space<vmem>>, vector<1x16xf32>,
      %get3A_372 = vector.shape_cast %get3A_371 : vector<1x16xf32> to vector<16xf32>
      %swap3A = arith.index_cast %select_n3A : i32 to index
      %swap3A_373 = arith.index_cast %mul3A_365 : i32 to index
      %swap3A_374 = tpu.vector_load %arg10[%swap3A, %swap3A_373] {strides = array<i32>} : memref<32x1024xf32, #tpu.memory_space<vmem>>, vector<1x16xf32>,
      %swap3A_375 = vector.shape_cast %swap3A_374 : vector<1x16xf32> to vector<16xf32>
      %swap3A_376 = vector.shape_cast %get3A_372 : vector<16xf32> to vector<1x16xf32>
      tpu.vector_store %arg10[%swap3A, %swap3A_373], %swap3A_376 {add = true, strides = array<i32>} : memref<32x1024xf32, #tpu.memory_space<vmem>>, vector<1x16xf32>,
      %add3A_377 = arith.constant 1 : i32
      %add3A_378 = arith.addi %mul3A_361, %add3A_377 : i32
      %mul3A_379 = arith.constant 16 : i32
      %mul3A_380 = arith.muli %add3A_378, %mul3A_379 : i32
      %add3A_381 = arith.constant 1 : i32
      %add3A_382 = arith.addi %mul3A_361, %add3A_381 : i32
      %mul3A_383 = arith.constant 16 : i32
      %mul3A_384 = arith.muli %add3A_382, %mul3A_383 : i32
      %get3A_385 = arith.index_cast %select_n3A : i32 to index
      %get3A_386 = arith.index_cast %mul3A_384 : i32 to index
      %get3A_387 = tpu.vector_load %arg8[%get3A_385, %get3A_386] {strides = array<i32>} : memref<32x1024xf32, #tpu.memory_space<vmem>>, vector<1x16xf32>,
      %get3A_388 = vector.shape_cast %get3A_387 : vector<1x16xf32> to vector<16xf32>
      %swap3A_389 = arith.index_cast %select_n3A : i32 to index
      %swap3A_390 = arith.index_cast %mul3A_380 : i32 to index
      %swap3A_391 = tpu.vector_load %arg10[%swap3A_389, %swap3A_390] {strides = array<i32>} : memref<32x1024xf32, #tpu.memory_space<vmem>>, vector<1x16xf32>,
      %swap3A_392 = vector.shape_cast %swap3A_391 : vector<1x16xf32> to vector<16xf32>
      %swap3A_393 = vector.shape_cast %get3A_388 : vector<16xf32> to vector<1x16xf32>
      tpu.vector_store %arg10[%swap3A_389, %swap3A_390], %swap3A_393 {add = true, strides = array<i32>} : memref<32x1024xf32, #tpu.memory_space<vmem>>, vector<1x16xf32>,
      %add3A_394 = arith.constant 2 : i32
      %add3A_395 = arith.addi %mul3A_361, %add3A_394 : i32
      %mul3A_396 = arith.constant 16 : i32
      %mul3A_397 = arith.muli %add3A_395, %mul3A_396 : i32
      %add3A_398 = arith.constant 2 : i32
      %add3A_399 = arith.addi %mul3A_361, %add3A_398 : i32
      %mul3A_400 = arith.constant 16 : i32
      %mul3A_401 = arith.muli %add3A_399, %mul3A_400 : i32
      %get3A_402 = arith.index_cast %select_n3A : i32 to index
      %get3A_403 = arith.index_cast %mul3A_401 : i32 to index
      %get3A_404 = tpu.vector_load %arg8[%get3A_402, %get3A_403] {strides = array<i32>} : memref<32x1024xf32, #tpu.memory_space<vmem>>, vector<1x16xf32>,
      %get3A_405 = vector.shape_cast %get3A_404 : vector<1x16xf32> to vector<16xf32>
      %swap3A_406 = arith.index_cast %select_n3A : i32 to index
      %swap3A_407 = arith.index_cast %mul3A_397 : i32 to index
      %swap3A_408 = tpu.vector_load %arg10[%swap3A_406, %swap3A_407] {strides = array<i32>} : memref<32x1024xf32, #tpu.memory_space<vmem>>, vector<1x16xf32>,
      %swap3A_409 = vector.shape_cast %swap3A_408 : vector<1x16xf32> to vector<16xf32>
      %swap3A_410 = vector.shape_cast %get3A_405 : vector<16xf32> to vector<1x16xf32>
      tpu.vector_store %arg10[%swap3A_406, %swap3A_407], %swap3A_410 {add = true, strides = array<i32>} : memref<32x1024xf32, #tpu.memory_space<vmem>>, vector<1x16xf32>,
      %add3A_411 = arith.constant 3 : i32
      %add3A_412 = arith.addi %mul3A_361, %add3A_411 : i32
      %mul3A_413 = arith.constant 16 : i32
      %mul3A_414 = arith.muli %add3A_412, %mul3A_413 : i32
      %add3A_415 = arith.constant 3 : i32
      %add3A_416 = arith.addi %mul3A_361, %add3A_415 : i32
      %mul3A_417 = arith.constant 16 : i32
      %mul3A_418 = arith.muli %add3A_416, %mul3A_417 : i32
      %get3A_419 = arith.index_cast %select_n3A : i32 to index
      %get3A_420 = arith.index_cast %mul3A_418 : i32 to index
      %get3A_421 = tpu.vector_load %arg8[%get3A_419, %get3A_420] {strides = array<i32>} : memref<32x1024xf32, #tpu.memory_space<vmem>>, vector<1x16xf32>,
      %get3A_422 = vector.shape_cast %get3A_421 : vector<1x16xf32> to vector<16xf32>
      %swap3A_423 = arith.index_cast %select_n3A : i32 to index
      %swap3A_424 = arith.index_cast %mul3A_414 : i32 to index
      %swap3A_425 = tpu.vector_load %arg10[%swap3A_423, %swap3A_424] {strides = array<i32>} : memref<32x1024xf32, #tpu.memory_space<vmem>>, vector<1x16xf32>,
      %swap3A_426 = vector.shape_cast %swap3A_425 : vector<1x16xf32> to vector<16xf32>
      %swap3A_427 = vector.shape_cast %get3A_422 : vector<16xf32> to vector<1x16xf32>
      tpu.vector_store %arg10[%swap3A_423, %swap3A_424], %swap3A_427 {add = true, strides = array<i32>} : memref<32x1024xf32, #tpu.memory_space<vmem>>, vector<1x16xf32>,
      %scan3A_428 = arith.constant 0 : i32
      scf.yield %scan3A_428 : i32
    }
    %scan3A_304 = arith.constant 512 : i32
    %add3A_305 = arith.constant 32 : i32
    %add3A_306 = arith.addi %mul3A_2, %add3A_305 : i32
    %dma_start3A_307 = arith.constant 3 : i32
    %dma_start3A_308 = arith.constant 0 : i32
    %dma_start3A_309 = tpu.memref_slice %arg5[%dma_start3A_307, %add3A_306, %dma_start3A_308] : memref<4x2048x1024xf32, #tpu.memory_space<hbm>> -> memref<1x32x1024xf32, #tpu.memory_space<hbm>>
    %dma_start3A_310 = tpu.memref_squeeze %dma_start3A_309 : memref<1x32x1024xf32, #tpu.memory_space<hbm>> -> memref<32x1024xf32, #tpu.memory_space<hbm>>
    %dma_start3A_311 = arith.constant 0 : i32
    %dma_start3A_312 = tpu.memref_slice %arg5[%dma_start3A_307, %add3A_306, %dma_start3A_311] : memref<4x2048x1024xf32, #tpu.memory_space<hbm>> -> memref<1x32x1024xf32, #tpu.memory_space<hbm>>
    %dma_start3A_313 = tpu.memref_squeeze %dma_start3A_312 : memref<1x32x1024xf32, #tpu.memory_space<hbm>> -> memref<32x1024xf32, #tpu.memory_space<hbm>>
    tpu.enqueue_dma source(%arg10 : memref<32x1024xf32, #tpu.memory_space<vmem>>) target(%dma_start3A_313 : memref<32x1024xf32, #tpu.memory_space<hbm>>) target_semaphore(%arg15 : memref<!tpu.dma_semaphore, #tpu.memory_space<semaphore_mem>>)
    %dma_wait3A_314 = arith.constant 2 : i32
    %dma_wait3A_315 = arith.constant 0 : i32
    %dma_wait3A_316 = tpu.memref_slice %arg5[%dma_wait3A_314, %add3A_283, %dma_wait3A_315] : memref<4x2048x1024xf32, #tpu.memory_space<hbm>> -> memref<1x32x1024xf32, #tpu.memory_space<hbm>>
    %dma_wait3A_317 = tpu.memref_squeeze %dma_wait3A_316 : memref<1x32x1024xf32, #tpu.memory_space<hbm>> -> memref<32x1024xf32, #tpu.memory_space<hbm>>
    %dma_wait3A_318 = arith.constant 0 : i32
    %dma_wait3A_319 = tpu.memref_slice %arg5[%dma_wait3A_314, %add3A_283, %dma_wait3A_318] : memref<4x2048x1024xf32, #tpu.memory_space<hbm>> -> memref<1x32x1024xf32, #tpu.memory_space<hbm>>
    %dma_wait3A_320 = tpu.memref_squeeze %dma_wait3A_319 : memref<1x32x1024xf32, #tpu.memory_space<hbm>> -> memref<32x1024xf32, #tpu.memory_space<hbm>>
    tpu.wait_dma2 semaphore(%arg14 : memref<!tpu.dma_semaphore, #tpu.memory_space<semaphore_mem>>) src(%arg9 : memref<32x1024xf32, #tpu.memory_space<vmem>>) dst(%dma_wait3A_320 : memref<32x1024xf32, #tpu.memory_space<hbm>>)
    %dma_wait3A_321 = arith.constant 3 : i32
    %dma_wait3A_322 = arith.constant 0 : i32
    %dma_wait3A_323 = tpu.memref_slice %arg5[%dma_wait3A_321, %add3A_306, %dma_wait3A_322] : memref<4x2048x1024xf32, #tpu.memory_space<hbm>> -> memref<1x32x1024xf32, #tpu.memory_space<hbm>>
    %dma_wait3A_324 = tpu.memref_squeeze %dma_wait3A_323 : memref<1x32x1024xf32, #tpu.memory_space<hbm>> -> memref<32x1024xf32, #tpu.memory_space<hbm>>
    %dma_wait3A_325 = arith.constant 0 : i32
    %dma_wait3A_326 = tpu.memref_slice %arg5[%dma_wait3A_321, %add3A_306, %dma_wait3A_325] : memref<4x2048x1024xf32, #tpu.memory_space<hbm>> -> memref<1x32x1024xf32, #tpu.memory_space<hbm>>
    %dma_wait3A_327 = tpu.memref_squeeze %dma_wait3A_326 : memref<1x32x1024xf32, #tpu.memory_space<hbm>> -> memref<32x1024xf32, #tpu.memory_space<hbm>>
    tpu.wait_dma2 semaphore(%arg15 : memref<!tpu.dma_semaphore, #tpu.memory_space<semaphore_mem>>) src(%arg10 : memref<32x1024xf32, #tpu.memory_space<vmem>>) dst(%dma_wait3A_327 : memref<32x1024xf32, #tpu.memory_space<hbm>>)
    return
  }
}

</mosaic_0001>

<sc_bundles>
// kernel: learnt_pos_enc_sc.3.cloned.1.call-start
scs
__scs_entry_jumppad:
0x0: {  	(pc) =	sbr.rel $0x88, $3  }
0x1: {  	(tag) =	ssettag $0x0;
	lr =	simm.s32 $0x1  }
0x2: {  	[smem:$0x3F9E] =	sst lr;
	_ =	strace $0xD0000000  }
0x3: {  	_ = 	snop  }
0x4: {  	_ = 	snop  }
0x5: {  	_ = 	snop  }
0x6: {  	_ = 	snop  }
0x7: {  	_ = 	snop  }
__scs_overlays_trampoline_lowered:
0x8: {  	[smem:$0x3FAD] =	sst s0  }
0x9: {  	[smem:$0x3FAE] =	sst s1  }
0xa: {  	[smem:$0x3FAF] =	sst s2  }
0xb: {  	[smem:$0x3FB0] =	sst s3  }
0xc: {  	[smem:$0x3FB1] =	sst s4  }
0xd: {  	[smem:$0x3FB2] =	sst s5  }
0xe: {  	[smem:$0x3FB3] =	sst s6  }
0xf: {  	[smem:$0x3FB4] =	sst s7  }
0x10: {  	[smem:$0x3FB5] =	sst s8  }
0x11: {  	[smem:$0x3FB6] =	sst s9;
	s0 =	simm.s32 @!p0 $0x0  }
0x12: {  	s1 =	sld [smem:$0x3F9C];
	s0 =	simm.s32 @p0 $0x1  }
0x13: {  	[smem:$0x3FB7] =	sst s0;
	s0 =	simm.s32 @!p1 $0x0  }
0x14: {  	s2 =	sld [smem:$0x3F9B];
	s0 =	simm.s32 @p1 $0x1  }
0x15: {  	[smem:$0x3FB8] =	sst s0;
	s0 =	simm.s32 @!p2 $0x0  }
0x16: {  	s3 =	sld [smem:$0x3FDB];
	s0 =	simm.s32 @p2 $0x1  }
0x17: {  	s4 =	simm.s32 $0x1BF5;
	[smem:$0x3FBA] =	sst s0  }
0x18: {  	s0 =	sld [smem:$0x3F9D];
	_ =	swait.ge [sflag:s4], $0x0  }
0x19: {  	s7 =	sld [smem:$0x3F9E]  }
0x1a: {  	s8 =	sadd.s32 $0xFFFFE003, lr  }
0x1b: {  	s9 =	sadd.s32 $0xFFFFFEF7, lr;
	s5 =	simm.s32 $0xFFFFFFFF;
	p2 =	slt.u32 s8, $0xFFFFF086  }
0x1c: {  	p1 =	slt.u32 s9, $0xF7A;
	s5 =	simm.s32 @!p2 $0x0  }
0x1d: {  	s5 =	simm.s32 @p1 $0x1;
	p0 =	seq.s32 s7, s2  }
0x1e: {  	s7 =	smul.u32 @!p0 $0xF7A, s2;
	p2 =	seq.s32 @!p0 s5, $0x0  }
0x1f: {  	s9 =	smul.u32 $0xF7A, s1;
	s8 =	simm.s32 @!p0 $0x1BF5;
	p2 =	por !p2, p0  }
0x20: {  	[sflag:s8] =	ssyncset.s32 @!p0 $0xFFFFF086;
	s6 =	sadd.s32 @!p0 s3, s7;
	s7 =	simm.s32 @!p0 $0x108  }
0x21: {  	s3 =	sadd.s32 s3, s9;
	s6 =	sadd.s32 @!p0 $0x88, s6;
	s7 =	simm.s32 @p2 $0x1082  }
0x22: {  	[simem:s7], [sflag:s8] =	dma.local @!p0 [hbm:s6], $0xF7A  }
0x23: {  	s9 =	sor.u32 $0xD0000000, s2;
	s6 =	simm.s32 $0x108;
	_ =	swait.ge @!p0 [sflag:s8], $0x0  }
0x24: {  	s3 =	sadd.s32 $0x88, s3;
	s6 =	simm.s32 @!p1 $0x1082;
	[sflag:s4] =	ssyncset.s32 $0xFFFFF086  }
0x25: {  	[simem:s6], [sflag:s4] =	dma.local [hbm:s3], $0xF7A  }
0x26: {  	[smem:$0x3F9E] =	sst s1;
	(tag) =	ssettag s2;
	_ =	strace s9  }
0x27: {  	s1 =	sld [smem:$0x3FAE]  }
0x28: {  	s2 =	sld [smem:$0x3FAF]  }
0x29: {  	s4 =	sld [smem:$0x3FB1]  }
0x2a: {  	p0 =	seq.s32 s5, $0x0;
	s5 =	sld [smem:$0x3FB2]  }
0x2b: {  	s6 =	sld [smem:$0x3FB3]  }
0x2c: {  	s7 =	sld [smem:$0x3FB4]  }
0x2d: {  	s3 =	simm.s32 $0x108;
	s8 =	sld [smem:$0x3FB5]  }
0x2e: {  	s3 =	simm.s32 @!p0 $0x1082;
	s9 =	sld [smem:$0x3FB6]  }
0x2f: {  	lr =	sadd.s32 s0, s3;
	s0 =	sld [smem:$0x3FAD]  }
0x30: {  	s3 =	sld [smem:$0x3FB0]  }
0x31: {  	[smem:$0x3FB9] =	sst s10  }
0x32: {  	s10 =	sld [smem:$0x3FB7];
	_ =	sdelay $0x3  }
0x33: {  	p0 =	seq.s32 s10, $0x1;
	s10 =	sld [smem:$0x3FB9];
	_ =	sdelay $0x3  }
0x34: {  	[smem:$0x3FB9] =	sst s10  }
0x35: {  	s10 =	sld [smem:$0x3FB8];
	_ =	sdelay $0x3  }
0x36: {  	p1 =	seq.s32 s10, $0x1;
	s10 =	sld [smem:$0x3FB9];
	_ =	sdelay $0x3  }
0x37: {  	[smem:$0x3FB9] =	sst s10  }
0x38: {  	s10 =	sld [smem:$0x3FBA]  }
0x39: {  	_ = 	snop;
	(pc) =	sbr.ind lr, $3  }
0x3a: {  	_ = 	snop  }
0x3b: {  	_ = 	snop  }
0x3c: {  	p2 =	seq.s32 s10, $0x1;
	s10 =	sld [smem:$0x3FB9]  }
0x3d: {  	_ =	shalt  }
0x3e: {  	_ =	shalt  }
0x3f: {  	_ =	shalt  }
0x40: {  	_ =	shalt  }
0x41: {  	_ =	shalt  }
0x42: {  	_ =	shalt  }
0x43: {  	_ =	shalt  }
0x44: {  	_ =	shalt  }
0x45: {  	_ =	shalt  }
0x46: {  	_ =	shalt  }
0x47: {  	_ =	shalt  }
0x48: {  	_ =	shalt  }
0x49: {  	_ =	shalt  }
0x4a: {  	_ =	shalt  }
0x4b: {  	_ =	shalt  }
0x4c: {  	_ =	shalt  }
0x4d: {  	_ =	shalt  }
0x4e: {  	_ =	shalt  }
0x4f: {  	_ =	shalt  }
0x50: {  	_ =	shalt  }
0x51: {  	_ =	shalt  }
0x52: {  	_ =	shalt  }
0x53: {  	_ =	shalt  }
0x54: {  	_ =	shalt  }
0x55: {  	_ =	shalt  }
0x56: {  	_ =	shalt  }
0x57: {  	_ =	shalt  }
0x58: {  	_ =	shalt  }
0x59: {  	_ =	shalt  }
0x5a: {  	_ =	shalt  }
0x5b: {  	_ =	shalt  }
0x5c: {  	_ =	shalt  }
0x5d: {  	_ =	shalt  }
0x5e: {  	_ =	shalt  }
0x5f: {  	_ =	shalt  }
0x60: {  	_ =	shalt  }
0x61: {  	_ =	shalt  }
0x62: {  	_ =	shalt  }
0x63: {  	_ =	shalt  }
0x64: {  	_ =	shalt  }
0x65: {  	_ =	shalt  }
0x66: {  	_ =	shalt  }
0x67: {  	_ =	shalt  }
0x68: {  	_ =	shalt  }
0x69: {  	_ =	shalt  }
0x6a: {  	_ =	shalt  }
0x6b: {  	_ =	shalt  }
0x6c: {  	_ =	shalt  }
0x6d: {  	_ =	shalt  }
0x6e: {  	_ =	shalt  }
0x6f: {  	_ =	shalt  }
0x70: {  	_ =	shalt  }
0x71: {  	_ =	shalt  }
0x72: {  	_ =	shalt  }
0x73: {  	_ =	shalt  }
0x74: {  	_ =	shalt  }
0x75: {  	_ =	shalt  }
0x76: {  	_ =	shalt  }
0x77: {  	_ =	shalt  }
0x78: {  	_ =	shalt  }
0x79: {  	_ =	shalt  }
0x7a: {  	_ =	shalt  }
0x7b: {  	_ =	shalt  }
0x7c: {  	_ =	shalt  }
0x7d: {  	_ =	shalt  }
0x7e: {  	_ =	shalt  }
0x7f: {  	_ =	shalt  }
0x80: {  	_ =	shalt  }
0x81: {  	_ =	shalt  }
0x82: {  	_ =	shalt  }
0x83: {  	_ =	shalt  }
0x84: {  	_ =	shalt  }
0x85: {  	_ =	shalt  }
0x86: {  	_ =	shalt  }
0x87: {  	_ =	shalt  }
.Lfunc_end0:
.L_simem_size_0:
called_computation_lowered:
.L_overlay_start_0:
0x88: {  	s2 =	sld [smem:$0x3FD9]  }
0x89: {  	s3 =	sld [smem:$0x3FFE];
	_ =	sdelay $0x1  }
0x8a: {  	s1 =	srdreg.scid  }
0x8b: {  	s0 =	sand.u32 $0x1, s1  }
0x8c: {  	s18 =	sshll.u32 s0, $0xA;
	s2 =	sadd.s32 s3, s2  }
0x8d: {  	s2 =	sadd.s32 s2, s18  }
0x8e: {  	[smem:$0x3FC5] =	sst s2  }
0x8f: {  	_ = 	snop  }
0x90: {  	s2 =	sld [smem:$0x3FC9]  }
0x91: {  	s19 =	sld [smem:$0x3FC8]  }
0x92: {  	s4 =	sld [smem:$0x3FC7]  }
0x93: {  	s5 =	sld [smem:$0x3FD0];
	(tm) =	ssettm $0x1  }
0x94: {  	s6 =	sld [smem:$0x3FFB];
	_ =	sdelay $0x3  }
0x95: {  	_ =	strace s6  }
0x96: {  	s6 =	sld [smem:$0x3FFC];
	_ =	sdelay $0x3  }
0x97: {  	_ =	strace s6  }
0x98: {  	s6 =	sld [smem:$0x3FFD];
	_ =	sdelay $0x3  }
0x99: {  	_ =	strace s6  }
0x9a: {  	_ =	strace $0x8FFFFFFF  }
0x9b: {  	s20 =	sld [smem:$0x3FDB];
	_ =	sdelay $0x1  }
0x9c: {  	s7 =	simm.s32 $_scs_section_size  }
0x9d: {  	s8 =	simm.s32 $_size__tile_overlayer_lowered;
	s9 =	simm.s32 $_tile_overlayer_lowered  }
0x9e: {  	s23 =	simm.s32 $0x1BFF;
	s22 =	sshll.u32 s9, $0x1;
	s6 =	sadd.s32 s7, s20  }
0x9f: {  	s10 =	simm.s32 $0x0;
	s21 =	sshll.u32 s8, $0x1;
	s8 =	sadd.s32 s22, s6  }
0xa0: {  	[timem:s10], [sflag:s23] =	dma.local [hbm:s8], s21  }
0xa1: {  	_ =	swait.ge [sflag:s23], s21  }
0xa2: {  	s7 =	ssub.s32 $0x0, s21;
	[sflag:s23] =	ssyncset.done $0x0  }
0xa3: {  	[sflag:s23] =	ssyncadd.s32 s7;
	_ =	sdelay $0x1  }
0xa4: {  	s24 =	simm.s32 $0x1B8B  }
0xa5: {  	_ =	swait.ge [sflag:s24], $0x1  }
0xa6: {  	[sflag:s24] =	ssyncset.done $0x0  }
0xa7: {  	s25 =	simm.s32 $0x1B8E;
	[sflag:s24] =	ssyncadd.s32 $0xFFFFFFFF  }
0xa8: {  	s26 =	simm.s32 $execute0_lowered;
	[smem:$0x3FD2] =	sst s25  }
0xa9: {  	s7 =	sshll.u32 s26, $0x1;
	_ =	strace $0x80000046;
	[dreg:$0x1] =	wrdreg $0xFFFFFFFF  }
0xaa: {  	s28 =	simm.s32 $_size_execute0_lowered;
	s6 =	sadd.s32 s6, s7;
	[dreg:$0x0] =	wrdreg $0x0  }
0xab: {  	s7 =	sshll.u32 s28, $0x1;
	[dreg:$0x2] =	wrdreg s6  }
0xac: {  	[dreg:$0x3] =	wrdreg s7  }
0xad: {  	[dreg:$0x4] =	wrdreg $0xC0  }
0xae: {  	_ =	task [dreg:s10], $0x5FFFF  }
0xaf: {  	[dreg:$0x1] =	wrdreg $0xFFFFFFFF  }
0xb0: {  	[dreg:$0x0] =	wrdreg $0x60  }
0xb1: {  	[dreg:$0x2] =	wrdreg s2  }
0xb2: {  	[dreg:$0x3] =	wrdreg s19  }
0xb3: {  	[dreg:$0x4] =	wrdreg s4  }
0xb4: {  	[dreg:$0x5] =	wrdreg s5  }
0xb5: {  	[dreg:$0x6] =	wrdreg $0x9  }
0xb6: {  	_ =	task.clear_ibuf [dreg:s10], $0x7FFFF;
	_ =	strace $0x90000046  }
0xb7: {  	s29 =	simm.s32 $0x9;
	_ =	strace $0x80000048  }
0xb8: {  	_ =	swait.ge [sflag:s29], $0x1  }
0xb9: {  	[sflag:s29] =	ssyncadd.s32 $0xFFFFFFFF  }
0xba: {  	_ =	strace $0x90000048  }
0xbb: {  	_ =	sfence  }
0xbc: {  	s30 =	sld [smem:$0x0];
	_ =	sdelay $0x2  }
0xbd: {  	s31 =	sshll.u32 s1, $0xD;
	s1 =	sshrl.u32 s1, $0x2  }
0xbe: {  	s3 =	sand.u32 $0x4000, s31;
	s1 =	sadd.s32 s1, s30  }
0xbf: {  	s0 =	sor.u32 s3, s0;
	s1 =	sshll.u32 s1, $0x11  }
0xc0: {  	s0 =	sor.u32 s1, s0  }
0xc1: {  	s0 =	sadd.s32 $0x8F2B, s0  }
0xc2: {  	[sflag:s0] =	ssyncadd.remote.s32 $0x1  }
0xc3: {  	_ =	sfence.sel $0xFFFF  }
0xc4: {  	[dreg:$0x0] =	wrdreg $0xFFFFFFFF;
	(pc) =	sbr.abs _section_cstart, $3  }
0xc5: {  	[dreg:$0x1] =	wrdreg $0xFFFFFFFF  }
0xc6: {  	_ =	task.clear_ibuf [dreg:s10], $0x2FFFF;
	_ =	strace $0x9FFFFFFF  }
0xc7: {  	(tm) =	ssettm $0x7FFFFFFF  }
tec
execute0_lowered:
.L_overlay_start_1:
0x0: {  	(tag) =	ssettag $0x1  }
0x1: {  	s0 =	rddreg [dreg:$0x0]  }
0x2: {  	s2 =	rddreg [dreg:$0x1]  }
0x3: {  	s1 =	rddreg [dreg:$0x2]  }
0x4: {  	s3 =	srdreg.scid;
	s4 =	rddreg [dreg:$0x3]  }
0x5: {  	s6 =	stileid.u32;
	s28 =	simm.s32 $0x10100;
	s29 =	simm.s32 $0x1  }
0x6: {  	s30 =	simm.s32 $0x3;
	s31 =	simm.s32 $0x5;
	s5 =	sand.u32 $0x1, s3  }
0x7: {  	s6 =	sshll.u32 s6, $0x7;
	s3 =	simm.s32 $0x0;
	s7 =	sshll.u32 s5, $0x6  }
0x8: {  	s5 =	ssub.s32 $0x2, s5;
	[smem:$0x7FF] =	sst s3;
	s7 =	sor.u32 s7, s6  }
0x9: {  	s21 =	sshrl.u32 s5, $0x1;
	_ =	strace $0x80000047;
	s6 =	sadd.s32 $0x200, s2  }
0xa: {  	s8 =	sshrl.u32 s7, $0x3;
	s9 =	ssub.s32 s5, s21;
	s5 =	sadd.s32 $0x100, s2  }
0xb: {  	s23 =	sshll.u32 s7, $0x7;
	s7 =	sor.u32 $0x20, s7;
	s22 =	sadd.s32 s1, s8  }
0xc: {  	s10 =	sadd.s32 s0, s23;
	s24 =	sor.u32 $0x40000, s23;
	[dreg:$0x5] =	wrdreg s22  }
0xd: {  	s11 =	sor.u32 $0x80000, s23;
	s25 =	sadd.s32 s4, s23;
	[dreg:$0x6] =	wrdreg s10  }
0xe: {  	s8 =	sor.u32 $0xC0000, s23;
	s12 =	sadd.s32 s0, s24;
	[dreg:$0x8] =	wrdreg s25  }
0xf: {  	s15 =	sshll.u32 s7, $0x7;
	s26 =	sadd.s32 s0, s11;
	[dreg:$0x7] =	wrdreg s12  }
0x10: {  	s7 =	sshrl.u32 s7, $0x3;
	s10 =	sadd.s32 s4, s24;
	[dreg:$0x9] =	wrdreg s26  }
0x11: {  	s13 =	sadd.s32 s0, s8;
	s14 =	sadd.s32 s4, s11;
	[dreg:$0xa] =	wrdreg s10  }
0x12: {  	s16 =	sadd.s32 s0, s15;
	s17 =	sor.u32 $0x40000, s15;
	[dreg:$0xb] =	wrdreg s13  }
0x13: {  	s1 =	sadd.s32 s1, s7;
	s18 =	sadd.s32 s4, s8;
	[dreg:$0xc] =	wrdreg s14  }
0x14: {  	s20 =	sadd.s32 s4, s15;
	s21 =	sor.u32 $0x80000, s15;
	[dreg:$0xd] =	wrdreg s16  }
0x15: {  	s22 =	sor.u32 $0xC0000, s15;
	s11 =	simm.s32 $0x5900;
	[dreg:$0xe] =	wrdreg s1  }
0x16: {  	s15 =	simm.s32 $0x7900;
	[dreg:$0xf] =	wrdreg s18;
	s19 =	sadd.s32 s0, s17  }
0x17: {  	[dreg:$0x11] =	wrdreg s20;
	s23 =	sadd.s32 s0, s21;
	s24 =	sadd.s32 s4, s17  }
0x18: {  	s0 =	sadd.s32 s0, s22;
	s25 =	sadd.s32 s4, s21;
	[dreg:$0x10] =	wrdreg s19  }
0x19: {  	s26 =	sadd.s32 s4, s22;
	s10 =	simm.s32 $0x5100;
	[dreg:$0x12] =	wrdreg s23  }
0x1a: {  	s12 =	simm.s32 $0x6100;
	s13 =	simm.s32 $0x6900;
	[dreg:$0x13] =	wrdreg s24  }
0x1b: {  	s14 =	simm.s32 $0x7100;
	s16 =	simm.s32 $0x8100;
	[dreg:$0x14] =	wrdreg s0  }
0x1c: {  	v2 =	vlaneseq.u32;
	s17 =	simm.s32 $0x2;
	s18 =	simm.s32 $0x4;
	[dreg:$0x15] =	wrdreg s25  }
0x1d: {  	vm0 =	vmmov $0xffff;
	v1 =	vshrl.u32 v2, $0x3;
	[dreg:$0x16] =	wrdreg s26;
	s24 =	sadd.s32 $0x300, s2;
	s25 =	smax.u32 s9, $0x1  }
0x1e: {  	v0 =	vand.u32 $0x7, v2;
	v2 =	vor.u32 $0x8, v2;
	v1 =	vmul.u32 $0x8, v1;
	s26 =	simm.s32 $0x6;
	s9 =	simm.s32 $0x4900;
	s0 =	simm.s32 $0x0  }
.LBB2_1:
0x1f: {  	s1 =	rddreg [dreg:$0x5]  }
0x20: {  	[tilespmem:s3], [sflag:$0x6] =	stream.linear.gather [hbm4b:s1+s3], $0x20, $0x38;
	[tilespmem:$0x18100] =	vst v63  }
0x21: {  	_ =	swait.ge [sflag:s26], $0x20  }
0x22: {  	[sflag:s26] =	ssyncset.done $0x0  }
0x23: {  	[sflag:s26] =	ssyncadd.s32 $0xFFFFFFE0  }
0x24: {  	v3 =	vld [tilespmem:$0x0];
	_ =	sdelay $0x4  }
0x25: {  	v4 =	vshll.u32 v3, $0x3  }
0x26: {  	v3 =	vand.u32 $0x7, v3;
	v4 =	vand.u32 $0xFFFFFFC0, v4  }
0x27: {  	v3 =	vor.u32 v3, v4  }
0x28: {  	v4 =	vperm.xlane v3, v0;
	_ =	sdelay $0x1  }
0x29: {  	v4 =	vadd.s32 v1, v4;
	_ =	sdelay $0x3  }
0x2a: {  	s19 =	simm.s32 $0x100  }
0x2b: {  	[tilespmem:s19], [sflag:$0x1] =	stream.indirect_vreg.gather [hbm4b:s2+s3], $0x80, v4, vm0, $0xb8;
	[tilespmem:$0x18100] =	vst v63  }
0x2c: {  	s20 =	simm.s32 $0x900;
	v3 =	vperm.xlane v3, v2  }
0x2d: {  	[tilespmem:s20], [sflag:$0x1] =	stream.indirect_vreg.gather [hbm4b:s5+s3], $0x80, v4, vm0, $0xb8;
	[tilespmem:$0x18100] =	vst v63  }
0x2e: {  	s21 =	simm.s32 $0x1100;
	v3 =	vadd.s32 v1, v3  }
0x2f: {  	[tilespmem:s21], [sflag:$0x1] =	stream.indirect_vreg.gather [hbm4b:s6+s3], $0x80, v4, vm0, $0xb8;
	[tilespmem:$0x18100] =	vst v63  }
0x30: {  	s22 =	simm.s32 $0x1900  }
0x31: {  	[tilespmem:s22], [sflag:$0x1] =	stream.indirect_vreg.gather [hbm4b:s24+s3], $0x80, v4, vm0, $0xb8;
	[tilespmem:$0x18100] =	vst v63  }
0x32: {  	s23 =	simm.s32 $0x2100  }
0x33: {  	[tilespmem:s23], [sflag:$0x1] =	stream.indirect_vreg.gather [hbm4b:s2+s3], $0x80, v3, vm0, $0xb8;
	[tilespmem:$0x18100] =	vst v63  }
0x34: {  	s4 =	simm.s32 $0x2900  }
0x35: {  	[tilespmem:s4], [sflag:$0x1] =	stream.indirect_vreg.gather [hbm4b:s5+s3], $0x80, v3, vm0, $0xb8;
	[tilespmem:$0x18100] =	vst v63  }
0x36: {  	s7 =	simm.s32 $0x3100  }
0x37: {  	[tilespmem:s7], [sflag:$0x1] =	stream.indirect_vreg.gather [hbm4b:s6+s3], $0x80, v3, vm0, $0xb8;
	[tilespmem:$0x18100] =	vst v63  }
0x38: {  	s8 =	simm.s32 $0x3900  }
0x39: {  	[tilespmem:s8], [sflag:$0x1] =	stream.indirect_vreg.gather [hbm4b:s24+s3], $0x80, v3, vm0, $0xb8;
	[tilespmem:$0x18100] =	vst v63  }
0x3a: {  	v3 =	vld [tilespmem:$0x10];
	_ =	sdelay $0x4  }
0x3b: {  	v4 =	vshll.u32 v3, $0x3  }
0x3c: {  	v3 =	vand.u32 $0x7, v3;
	v4 =	vand.u32 $0xFFFFFFC0, v4  }
0x3d: {  	v3 =	vor.u32 v3, v4  }
0x3e: {  	v4 =	vperm.xlane v3, v0;
	_ =	sdelay $0x1  }
0x3f: {  	v4 =	vadd.s32 v1, v4;
	_ =	sdelay $0x3  }
0x40: {  	s19 =	simm.s32 $0x4100  }
0x41: {  	[tilespmem:s19], [sflag:$0x1] =	stream.indirect_vreg.gather [hbm4b:s2+s3], $0x80, v4, vm0, $0xb8;
	[tilespmem:$0x18100] =	vst v63  }
0x42: {  	v3 =	vperm.xlane v3, v2  }
0x43: {  	[tilespmem:s9], [sflag:$0x1] =	stream.indirect_vreg.gather [hbm4b:s5+s3], $0x80, v4, vm0, $0xb8;
	[tilespmem:$0x18100] =	vst v63  }
0x44: {  	v3 =	vadd.s32 v1, v3  }
0x45: {  	[tilespmem:s10], [sflag:$0x1] =	stream.indirect_vreg.gather [hbm4b:s6+s3], $0x80, v4, vm0, $0xb8;
	[tilespmem:$0x18100] =	vst v63  }
0x46: {  	_ = 	snop  }
0x47: {  	[tilespmem:s11], [sflag:$0x1] =	stream.indirect_vreg.gather [hbm4b:s24+s3], $0x80, v4, vm0, $0xb8;
	[tilespmem:$0x18100] =	vst v63  }
0x48: {  	_ = 	snop  }
0x49: {  	[tilespmem:s12], [sflag:$0x1] =	stream.indirect_vreg.gather [hbm4b:s2+s3], $0x80, v3, vm0, $0xb8;
	[tilespmem:$0x18100] =	vst v63  }
0x4a: {  	_ = 	snop  }
0x4b: {  	[tilespmem:s13], [sflag:$0x1] =	stream.indirect_vreg.gather [hbm4b:s5+s3], $0x80, v3, vm0, $0xb8;
	[tilespmem:$0x18100] =	vst v63  }
0x4c: {  	_ = 	snop  }
0x4d: {  	[tilespmem:s14], [sflag:$0x1] =	stream.indirect_vreg.gather [hbm4b:s6+s3], $0x80, v3, vm0, $0xb8;
	[tilespmem:$0x18100] =	vst v63  }
0x4e: {  	_ = 	snop  }
0x4f: {  	[tilespmem:s15], [sflag:$0x1] =	stream.indirect_vreg.gather [hbm4b:s24+s3], $0x80, v3, vm0, $0xb8;
	[tilespmem:$0x18100] =	vst v63  }
0x50: {  	s20 =	rddreg [dreg:$0x6]  }
0x51: {  	[tilespmem:s16], [sflag:$0x2] =	stream.linear.gather [hbm4b:s20+s3], $0x8000, $0x38;
	[tilespmem:$0x18100] =	vst v63  }
0x52: {  	s21 =	rddreg [dreg:$0x7]  }
0x53: {  	[tilespmem:s28], [sflag:$0x3] =	stream.linear.gather [hbm4b:s21+s3], $0x8000, $0x38;
	[tilespmem:$0x18100] =	vst v63  }
0x54: {  	s22 =	simm.s32 $0x0;
	_ =	swait.ge [sflag:s17], $0x8000  }
0x55: {  	s1 =	sand.u32 $0x6000, s22;
	[sflag:s17] =	ssyncset.done $0x0  }
0x56: {  	s4 =	sand.u32 $0x40, s3;
	s7 =	sand.u32 $0x1C00, s3;
	[sflag:s17] =	ssyncadd.s32 $0xFFFF8000  }
0x57: {  	s4 =	sor.u32 s4, s7;
	s8 =	simm.s32 $0x0;
	_ =	swait.ge [sflag:s29], $0x8000  }
0x58: {  	s1 =	sor.u32 s1, s4;
	s23 =	sand.u32 $0x380, s8;
	[sflag:s29] =	ssyncset.done $0x0  }
0x59: {  	s19 =	sor.u32 s23, s1;
	[sflag:s29] =	ssyncadd.s32 $0xFFFF8000  }
0x5a: {  	v6 =	vld [tilespmem:s19+$0x130]  }
0x5b: {  	v5 =	vld [tilespmem:s19+$0x100]  }
0x5c: {  	s7 =	simm.s32 $0x40;
	v3 =	vld [tilespmem:s19+$0x110]  }
0x5d: {  	s4 =	simm.s32 $0x2;
	s1 =	simm.s32 $0x200;
	s20 =	simm.s32 $0x40;
	v4 =	vld [tilespmem:s19+$0x120]  }
0x5e: {  	s8 =	sand.u32 $0x1C00, s1;
	s22 =	sand.u32 $0x40, s20;
	s21 =	simm.s32 $0x8  }
.LBB2_2:
0x5f: {  	p0 =	sne.s32 s4, $0x1FF;
	s7 =	sand.u32 $0x6000, s7;
	s8 =	sor.u32 s22, s8;
	[tilespmem:s19+$0x8130] =	vst.add.f32.msk $0xffff, v6  }
0x60: {  	s21 =	sand.u32 $0x380, s21;
	s23 =	smov.u32 s19;
	s7 =	sor.u32 s7, s8;
	[tilespmem:s19+$0x8100] =	vst.add.f32.msk $0xffff, v5  }
0x61: {  	s19 =	sor.u32 s21, s7;
	[tilespmem:s23+$0x8110] =	vst.add.f32.msk $0xffff, v3  }
.Ltmp0:
0x62: {  	v6 =	vld [tilespmem:s19+$0x130];
	v7 =	vmov v4;
	(pc) =	sbr.rel @p0 .LBB2_2-.Ltmp0, $4  }
0x63: {  	v5 =	vld [tilespmem:s19+$0x100]  }
0x64: {  	s1 =	sadd.s32 $0x200, s1;
	v3 =	vld [tilespmem:s19+$0x110]  }
0x65: {  	s20 =	sadd.s32 $0x40, s20;
	s7 =	sshll.u32 s4, $0x6;
	s21 =	sshll.u32 s4, $0x3;
	v4 =	vld [tilespmem:s19+$0x120]  }
0x66: {  	s22 =	sand.u32 $0x40, s20;
	s8 =	sand.u32 $0x1C00, s1;
	s4 =	sadd.s32 $0x1, s4;
	[tilespmem:s23+$0x8120] =	vst.add.f32.msk $0xffff, v7  }
0x67: {  	s1 =	sand.u32 $0x6000, s7;
	s4 =	sor.u32 s22, s8;
	[tilespmem:s19+$0x8130] =	vst.add.f32.msk $0xffff, v6  }
0x68: {  	s23 =	sand.u32 $0x380, s21;
	s1 =	sor.u32 s1, s4;
	[tilespmem:s19+$0x8100] =	vst.add.f32.msk $0xffff, v5  }
0x69: {  	s1 =	sor.u32 s23, s1;
	[tilespmem:s19+$0x8110] =	vst.add.f32.msk $0xffff, v3  }
0x6a: {  	v3 =	vld [tilespmem:s1+$0x130]  }
0x6b: {  	v5 =	vld [tilespmem:s1+$0x100]  }
0x6c: {  	v6 =	vld [tilespmem:s1+$0x110]  }
0x6d: {  	v7 =	vld [tilespmem:s1+$0x120]  }
0x6e: {  	[tilespmem:s19+$0x8120] =	vst.add.f32.msk $0xffff, v4  }
0x6f: {  	[tilespmem:s1+$0x8130] =	vst.add.f32.msk $0xffff, v3  }
0x70: {  	[tilespmem:s1+$0x8100] =	vst.add.f32.msk $0xffff, v5  }
0x71: {  	[tilespmem:s1+$0x8110] =	vst.add.f32.msk $0xffff, v6  }
0x72: {  	s7 =	simm.s32 $0x0;
	s8 =	rddreg [dreg:$0x8];
	[tilespmem:s1+$0x8120] =	vst.add.f32.msk $0xffff, v7  }
0x73: {  	[hbm4b:s8+s7] =	stream.linear.scatter [tilespmem:s16], [sflag:$0x4], $0x8000, $0x38;
	[tilespmem:$0x18100] =	vst v63  }
0x74: {  	s20 =	simm.s32 $0x0;
	_ =	swait.ge [sflag:s18], $0x8000  }
0x75: {  	s22 =	simm.s32 $0x0;
	s21 =	sand.u32 $0x40, s7;
	[sflag:s18] =	ssyncset.done $0x0  }
0x76: {  	s1 =	sand.u32 $0x1C00, s7;
	s19 =	rddreg [dreg:$0x9];
	[sflag:s18] =	ssyncadd.s32 $0xFFFF8000  }
0x77: {  	[tilespmem:s16], [sflag:$0x2] =	stream.linear.gather [hbm4b:s19+s7], $0x8000, $0x38;
	[tilespmem:$0x18100] =	vst v63  }
0x78: {  	s4 =	sand.u32 $0x6000, s20;
	s1 =	sor.u32 s21, s1;
	_ =	swait.ge [sflag:s30], $0x8000  }
0x79: {  	s23 =	sand.u32 $0x380, s22;
	s1 =	sor.u32 s4, s1;
	[sflag:s30] =	ssyncset.done $0x0  }
0x7a: {  	s19 =	sor.u32 s23, s1;
	[sflag:s30] =	ssyncadd.s32 $0xFFFF8000  }
0x7b: {  	v6 =	vld [tilespmem:s19+$0x130]  }
0x7c: {  	v5 =	vld [tilespmem:s19+$0x100]  }
0x7d: {  	s20 =	simm.s32 $0x40;
	v3 =	vld [tilespmem:s19+$0x110]  }
0x7e: {  	s22 =	sand.u32 $0x40, s20;
	s21 =	simm.s32 $0x8;
	s1 =	simm.s32 $0x200;
	v4 =	vld [tilespmem:s19+$0x120]  }
0x7f: {  	s4 =	simm.s32 $0x2;
	s7 =	simm.s32 $0x40;
	s8 =	sand.u32 $0x1C00, s1  }
.LBB2_4:
0x80: {  	p0 =	sne.s32 s4, $0x1FF;
	s7 =	sand.u32 $0x6000, s7;
	s8 =	sor.u32 s22, s8;
	[tilespmem:s19+$0x10130] =	vst.add.f32.msk $0xffff, v6  }
0x81: {  	s21 =	sand.u32 $0x380, s21;
	s23 =	smov.u32 s19;
	s7 =	sor.u32 s7, s8;
	[tilespmem:s19+$0x10100] =	vst.add.f32.msk $0xffff, v5  }
0x82: {  	s19 =	sor.u32 s21, s7;
	[tilespmem:s23+$0x10110] =	vst.add.f32.msk $0xffff, v3  }
.Ltmp1:
0x83: {  	v6 =	vld [tilespmem:s19+$0x130];
	v7 =	vmov v4;
	(pc) =	sbr.rel @p0 .LBB2_4-.Ltmp1, $4  }
0x84: {  	v5 =	vld [tilespmem:s19+$0x100]  }
0x85: {  	s1 =	sadd.s32 $0x200, s1;
	v3 =	vld [tilespmem:s19+$0x110]  }
0x86: {  	s20 =	sadd.s32 $0x40, s20;
	s7 =	sshll.u32 s4, $0x6;
	s21 =	sshll.u32 s4, $0x3;
	v4 =	vld [tilespmem:s19+$0x120]  }
0x87: {  	s22 =	sand.u32 $0x40, s20;
	s8 =	sand.u32 $0x1C00, s1;
	s4 =	sadd.s32 $0x1, s4;
	[tilespmem:s23+$0x10120] =	vst.add.f32.msk $0xffff, v7  }
0x88: {  	s1 =	sand.u32 $0x6000, s7;
	s4 =	sor.u32 s22, s8;
	[tilespmem:s19+$0x10130] =	vst.add.f32.msk $0xffff, v6  }
0x89: {  	s23 =	sand.u32 $0x380, s21;
	s1 =	sor.u32 s1, s4;
	[tilespmem:s19+$0x10100] =	vst.add.f32.msk $0xffff, v5  }
0x8a: {  	s1 =	sor.u32 s23, s1;
	[tilespmem:s19+$0x10110] =	vst.add.f32.msk $0xffff, v3  }
0x8b: {  	v3 =	vld [tilespmem:s1+$0x130]  }
0x8c: {  	v5 =	vld [tilespmem:s1+$0x100]  }
0x8d: {  	v6 =	vld [tilespmem:s1+$0x110]  }
0x8e: {  	v7 =	vld [tilespmem:s1+$0x120]  }
0x8f: {  	[tilespmem:s19+$0x10120] =	vst.add.f32.msk $0xffff, v4  }
0x90: {  	[tilespmem:s1+$0x10130] =	vst.add.f32.msk $0xffff, v3  }
0x91: {  	[tilespmem:s1+$0x10100] =	vst.add.f32.msk $0xffff, v5  }
0x92: {  	[tilespmem:s1+$0x10110] =	vst.add.f32.msk $0xffff, v6  }
0x93: {  	s7 =	simm.s32 $0x0;
	s8 =	rddreg [dreg:$0xa];
	[tilespmem:s1+$0x10120] =	vst.add.f32.msk $0xffff, v7  }
0x94: {  	[hbm4b:s8+s7] =	stream.linear.scatter [tilespmem:s28], [sflag:$0x5], $0x8000, $0x38;
	[tilespmem:$0x18100] =	vst v63  }
0x95: {  	s20 =	simm.s32 $0x0;
	_ =	swait.ge [sflag:s31], $0x8000  }
0x96: {  	s22 =	simm.s32 $0x0;
	s21 =	sand.u32 $0x40, s7;
	[sflag:s31] =	ssyncset.done $0x0  }
0x97: {  	s1 =	sand.u32 $0x1C00, s7;
	s19 =	rddreg [dreg:$0xb];
	[sflag:s31] =	ssyncadd.s32 $0xFFFF8000  }
0x98: {  	[tilespmem:s28], [sflag:$0x3] =	stream.linear.gather [hbm4b:s19+s7], $0x8000, $0x38;
	[tilespmem:$0x18100] =	vst v63  }
0x99: {  	s4 =	sand.u32 $0x6000, s20;
	s1 =	sor.u32 s21, s1;
	_ =	swait.ge [sflag:s17], $0x8000  }
0x9a: {  	s23 =	sand.u32 $0x380, s22;
	s1 =	sor.u32 s4, s1;
	[sflag:s17] =	ssyncset.done $0x0  }
0x9b: {  	s19 =	sor.u32 s23, s1;
	[sflag:s17] =	ssyncadd.s32 $0xFFFF8000  }
0x9c: {  	v6 =	vld [tilespmem:s19+$0x130]  }
0x9d: {  	v5 =	vld [tilespmem:s19+$0x100]  }
0x9e: {  	s20 =	simm.s32 $0x40;
	v3 =	vld [tilespmem:s19+$0x110]  }
0x9f: {  	s22 =	sand.u32 $0x40, s20;
	s21 =	simm.s32 $0x8;
	s1 =	simm.s32 $0x200;
	v4 =	vld [tilespmem:s19+$0x120]  }
0xa0: {  	s4 =	simm.s32 $0x2;
	s7 =	simm.s32 $0x40;
	s8 =	sand.u32 $0x1C00, s1  }
.LBB2_6:
0xa1: {  	p0 =	sne.s32 s4, $0x1FF;
	s7 =	sand.u32 $0x6000, s7;
	s8 =	sor.u32 s22, s8;
	[tilespmem:s19+$0x8130] =	vst.add.f32.msk $0xffff, v6  }
0xa2: {  	s21 =	sand.u32 $0x380, s21;
	s23 =	smov.u32 s19;
	s7 =	sor.u32 s7, s8;
	[tilespmem:s19+$0x8100] =	vst.add.f32.msk $0xffff, v5  }
0xa3: {  	s19 =	sor.u32 s21, s7;
	[tilespmem:s23+$0x8110] =	vst.add.f32.msk $0xffff, v3  }
.Ltmp2:
0xa4: {  	v6 =	vld [tilespmem:s19+$0x130];
	v7 =	vmov v4;
	(pc) =	sbr.rel @p0 .LBB2_6-.Ltmp2, $4  }
0xa5: {  	v5 =	vld [tilespmem:s19+$0x100]  }
0xa6: {  	s1 =	sadd.s32 $0x200, s1;
	v3 =	vld [tilespmem:s19+$0x110]  }
0xa7: {  	s20 =	sadd.s32 $0x40, s20;
	s7 =	sshll.u32 s4, $0x6;
	s21 =	sshll.u32 s4, $0x3;
	v4 =	vld [tilespmem:s19+$0x120]  }
0xa8: {  	s22 =	sand.u32 $0x40, s20;
	s8 =	sand.u32 $0x1C00, s1;
	s4 =	sadd.s32 $0x1, s4;
	[tilespmem:s23+$0x8120] =	vst.add.f32.msk $0xffff, v7  }
0xa9: {  	s1 =	sand.u32 $0x6000, s7;
	s4 =	sor.u32 s22, s8;
	[tilespmem:s19+$0x8130] =	vst.add.f32.msk $0xffff, v6  }
0xaa: {  	s23 =	sand.u32 $0x380, s21;
	s1 =	sor.u32 s1, s4;
	[tilespmem:s19+$0x8100] =	vst.add.f32.msk $0xffff, v5  }
0xab: {  	s1 =	sor.u32 s23, s1;
	[tilespmem:s19+$0x8110] =	vst.add.f32.msk $0xffff, v3  }
0xac: {  	v3 =	vld [tilespmem:s1+$0x130]  }
0xad: {  	v5 =	vld [tilespmem:s1+$0x100]  }
0xae: {  	v6 =	vld [tilespmem:s1+$0x110]  }
0xaf: {  	v7 =	vld [tilespmem:s1+$0x120]  }
0xb0: {  	[tilespmem:s19+$0x8120] =	vst.add.f32.msk $0xffff, v4  }
0xb1: {  	[tilespmem:s1+$0x8130] =	vst.add.f32.msk $0xffff, v3  }
0xb2: {  	[tilespmem:s1+$0x8100] =	vst.add.f32.msk $0xffff, v5  }
0xb3: {  	[tilespmem:s1+$0x8110] =	vst.add.f32.msk $0xffff, v6  }
0xb4: {  	s7 =	simm.s32 $0x0;
	s8 =	rddreg [dreg:$0xc];
	[tilespmem:s1+$0x8120] =	vst.add.f32.msk $0xffff, v7  }
0xb5: {  	[hbm4b:s8+s7] =	stream.linear.scatter [tilespmem:s16], [sflag:$0x4], $0x8000, $0x38;
	[tilespmem:$0x18100] =	vst v63  }
0xb6: {  	s20 =	simm.s32 $0x0;
	_ =	swait.ge [sflag:s18], $0x8000  }
0xb7: {  	s22 =	simm.s32 $0x0;
	s21 =	sand.u32 $0x40, s7;
	[sflag:s18] =	ssyncset.done $0x0  }
0xb8: {  	s1 =	sand.u32 $0x1C00, s7;
	s19 =	rddreg [dreg:$0xd];
	[sflag:s18] =	ssyncadd.s32 $0xFFFF8000  }
0xb9: {  	[tilespmem:s16], [sflag:$0x2] =	stream.linear.gather [hbm4b:s19+s7], $0x8000, $0x38;
	[tilespmem:$0x18100] =	vst v63  }
0xba: {  	s4 =	sand.u32 $0x6000, s20;
	s1 =	sor.u32 s21, s1;
	_ =	swait.ge [sflag:s30], $0x8000  }
0xbb: {  	s23 =	sand.u32 $0x380, s22;
	s1 =	sor.u32 s4, s1;
	[sflag:s30] =	ssyncset.done $0x0  }
0xbc: {  	s19 =	sor.u32 s23, s1;
	[sflag:s30] =	ssyncadd.s32 $0xFFFF8000  }
0xbd: {  	v6 =	vld [tilespmem:s19+$0x130]  }
0xbe: {  	v5 =	vld [tilespmem:s19+$0x100]  }
0xbf: {  	s20 =	simm.s32 $0x40;
	v3 =	vld [tilespmem:s19+$0x110]  }
0xc0: {  	s22 =	sand.u32 $0x40, s20;
	s21 =	simm.s32 $0x8;
	s1 =	simm.s32 $0x200;
	v4 =	vld [tilespmem:s19+$0x120]  }
0xc1: {  	s4 =	simm.s32 $0x2;
	s7 =	simm.s32 $0x40;
	s8 =	sand.u32 $0x1C00, s1  }
.LBB2_8:
0xc2: {  	p0 =	sne.s32 s4, $0x1FF;
	s7 =	sand.u32 $0x6000, s7;
	s8 =	sor.u32 s22, s8;
	[tilespmem:s19+$0x10130] =	vst.add.f32.msk $0xffff, v6  }
0xc3: {  	s21 =	sand.u32 $0x380, s21;
	s23 =	smov.u32 s19;
	s7 =	sor.u32 s7, s8;
	[tilespmem:s19+$0x10100] =	vst.add.f32.msk $0xffff, v5  }
0xc4: {  	s19 =	sor.u32 s21, s7;
	[tilespmem:s23+$0x10110] =	vst.add.f32.msk $0xffff, v3  }
.Ltmp3:
0xc5: {  	v6 =	vld [tilespmem:s19+$0x130];
	v7 =	vmov v4;
	(pc) =	sbr.rel @p0 .LBB2_8-.Ltmp3, $4  }
0xc6: {  	v5 =	vld [tilespmem:s19+$0x100]  }
0xc7: {  	s1 =	sadd.s32 $0x200, s1;
	v3 =	vld [tilespmem:s19+$0x110]  }
0xc8: {  	s20 =	sadd.s32 $0x40, s20;
	s7 =	sshll.u32 s4, $0x6;
	s21 =	sshll.u32 s4, $0x3;
	v4 =	vld [tilespmem:s19+$0x120]  }
0xc9: {  	s22 =	sand.u32 $0x40, s20;
	s8 =	sand.u32 $0x1C00, s1;
	s4 =	sadd.s32 $0x1, s4;
	[tilespmem:s23+$0x10120] =	vst.add.f32.msk $0xffff, v7  }
0xca: {  	s1 =	sand.u32 $0x6000, s7;
	s4 =	sor.u32 s22, s8;
	[tilespmem:s19+$0x10130] =	vst.add.f32.msk $0xffff, v6  }
0xcb: {  	s20 =	sand.u32 $0x380, s21;
	s1 =	sor.u32 s1, s4;
	[tilespmem:s19+$0x10100] =	vst.add.f32.msk $0xffff, v5  }
0xcc: {  	s1 =	sor.u32 s20, s1;
	[tilespmem:s19+$0x10110] =	vst.add.f32.msk $0xffff, v3  }
0xcd: {  	v3 =	vld [tilespmem:s1+$0x130]  }
0xce: {  	v5 =	vld [tilespmem:s1+$0x100]  }
0xcf: {  	v6 =	vld [tilespmem:s1+$0x110]  }
0xd0: {  	v7 =	vld [tilespmem:s1+$0x120]  }
0xd1: {  	[tilespmem:s19+$0x10120] =	vst.add.f32.msk $0xffff, v4  }
0xd2: {  	[tilespmem:s1+$0x10130] =	vst.add.f32.msk $0xffff, v3  }
0xd3: {  	[tilespmem:s1+$0x10100] =	vst.add.f32.msk $0xffff, v5  }
0xd4: {  	[tilespmem:s1+$0x10110] =	vst.add.f32.msk $0xffff, v6  }
0xd5: {  	s21 =	rddreg [dreg:$0xe];
	s22 =	simm.s32 $0x80;
	[tilespmem:s1+$0x10120] =	vst.add.f32.msk $0xffff, v7;
	s1 =	simm.s32 $0x0  }
0xd6: {  	[tilespmem:s22], [sflag:$0x6] =	stream.linear.gather [hbm4b:s21+s1], $0x20, $0x38;
	[tilespmem:$0x18100] =	vst v63  }
0xd7: {  	_ =	swait.ge [sflag:s26], $0x20  }
0xd8: {  	[sflag:s26] =	ssyncset.done $0x0  }
0xd9: {  	[sflag:s26] =	ssyncadd.s32 $0xFFFFFFE0  }
0xda: {  	v3 =	vld [tilespmem:$0x80];
	_ =	sdelay $0x4  }
0xdb: {  	v4 =	vshll.u32 v3, $0x3  }
0xdc: {  	v3 =	vand.u32 $0x7, v3;
	v4 =	vand.u32 $0xFFFFFFC0, v4  }
0xdd: {  	v3 =	vor.u32 v3, v4  }
0xde: {  	v4 =	vperm.xlane v3, v0;
	_ =	sdelay $0x1  }
0xdf: {  	v4 =	vadd.s32 v1, v4;
	_ =	sdelay $0x3  }
0xe0: {  	s23 =	simm.s32 $0x100  }
0xe1: {  	[tilespmem:s23], [sflag:$0x1] =	stream.indirect_vreg.gather [hbm4b:s2+s1], $0x80, v4, vm0, $0xb8;
	[tilespmem:$0x18100] =	vst v63  }
0xe2: {  	s7 =	simm.s32 $0x900;
	v3 =	vperm.xlane v3, v2  }
0xe3: {  	[tilespmem:s7], [sflag:$0x1] =	stream.indirect_vreg.gather [hbm4b:s5+s1], $0x80, v4, vm0, $0xb8;
	[tilespmem:$0x18100] =	vst v63  }
0xe4: {  	s8 =	simm.s32 $0x1100;
	v3 =	vadd.s32 v1, v3  }
0xe5: {  	[tilespmem:s8], [sflag:$0x1] =	stream.indirect_vreg.gather [hbm4b:s6+s1], $0x80, v4, vm0, $0xb8;
	[tilespmem:$0x18100] =	vst v63  }
0xe6: {  	s19 =	simm.s32 $0x1900  }
0xe7: {  	[tilespmem:s19], [sflag:$0x1] =	stream.indirect_vreg.gather [hbm4b:s24+s1], $0x80, v4, vm0, $0xb8;
	[tilespmem:$0x18100] =	vst v63  }
0xe8: {  	s20 =	simm.s32 $0x2100  }
0xe9: {  	[tilespmem:s20], [sflag:$0x1] =	stream.indirect_vreg.gather [hbm4b:s2+s1], $0x80, v3, vm0, $0xb8;
	[tilespmem:$0x18100] =	vst v63  }
0xea: {  	s21 =	simm.s32 $0x2900  }
0xeb: {  	[tilespmem:s21], [sflag:$0x1] =	stream.indirect_vreg.gather [hbm4b:s5+s1], $0x80, v3, vm0, $0xb8;
	[tilespmem:$0x18100] =	vst v63  }
0xec: {  	s22 =	simm.s32 $0x3100  }
0xed: {  	[tilespmem:s22], [sflag:$0x1] =	stream.indirect_vreg.gather [hbm4b:s6+s1], $0x80, v3, vm0, $0xb8;
	[tilespmem:$0x18100] =	vst v63  }
0xee: {  	s23 =	simm.s32 $0x3900  }
0xef: {  	[tilespmem:s23], [sflag:$0x1] =	stream.indirect_vreg.gather [hbm4b:s24+s1], $0x80, v3, vm0, $0xb8;
	[tilespmem:$0x18100] =	vst v63  }
0xf0: {  	v3 =	vld [tilespmem:$0x90];
	_ =	sdelay $0x4  }
0xf1: {  	v4 =	vshll.u32 v3, $0x3  }
0xf2: {  	v3 =	vand.u32 $0x7, v3;
	v4 =	vand.u32 $0xFFFFFFC0, v4  }
0xf3: {  	v3 =	vor.u32 v3, v4  }
0xf4: {  	v4 =	vperm.xlane v3, v0;
	_ =	sdelay $0x1  }
0xf5: {  	v4 =	vadd.s32 v1, v4;
	_ =	sdelay $0x3  }
0xf6: {  	s7 =	simm.s32 $0x4100  }
0xf7: {  	[tilespmem:s7], [sflag:$0x1] =	stream.indirect_vreg.gather [hbm4b:s2+s1], $0x80, v4, vm0, $0xb8;
	[tilespmem:$0x18100] =	vst v63  }
0xf8: {  	v3 =	vperm.xlane v3, v2  }
0xf9: {  	[tilespmem:s9], [sflag:$0x1] =	stream.indirect_vreg.gather [hbm4b:s5+s1], $0x80, v4, vm0, $0xb8;
	[tilespmem:$0x18100] =	vst v63  }
0xfa: {  	v3 =	vadd.s32 v1, v3  }
0xfb: {  	[tilespmem:s10], [sflag:$0x1] =	stream.indirect_vreg.gather [hbm4b:s6+s1], $0x80, v4, vm0, $0xb8;
	[tilespmem:$0x18100] =	vst v63  }
0xfc: {  	_ = 	snop  }
0xfd: {  	[tilespmem:s11], [sflag:$0x1] =	stream.indirect_vreg.gather [hbm4b:s24+s1], $0x80, v4, vm0, $0xb8;
	[tilespmem:$0x18100] =	vst v63  }
0xfe: {  	_ = 	snop  }
0xff: {  	[tilespmem:s12], [sflag:$0x1] =	stream.indirect_vreg.gather [hbm4b:s2+s1], $0x80, v3, vm0, $0xb8;
	[tilespmem:$0x18100] =	vst v63  }
0x100: {  	_ = 	snop  }
0x101: {  	[tilespmem:s13], [sflag:$0x1] =	stream.indirect_vreg.gather [hbm4b:s5+s1], $0x80, v3, vm0, $0xb8;
	[tilespmem:$0x18100] =	vst v63  }
0x102: {  	_ = 	snop  }
0x103: {  	[tilespmem:s14], [sflag:$0x1] =	stream.indirect_vreg.gather [hbm4b:s6+s1], $0x80, v3, vm0, $0xb8;
	[tilespmem:$0x18100] =	vst v63  }
0x104: {  	_ = 	snop  }
0x105: {  	[tilespmem:s15], [sflag:$0x1] =	stream.indirect_vreg.gather [hbm4b:s24+s1], $0x80, v3, vm0, $0xb8;
	[tilespmem:$0x18100] =	vst v63  }
0x106: {  	s8 =	rddreg [dreg:$0xf]  }
0x107: {  	[hbm4b:s8+s1] =	stream.linear.scatter [tilespmem:s28], [sflag:$0x5], $0x8000, $0x38;
	[tilespmem:$0x18100] =	vst v63  }
0x108: {  	_ =	swait.ge [sflag:s31], $0x8000  }
0x109: {  	[sflag:s31] =	ssyncset.done $0x0  }
0x10a: {  	s19 =	rddreg [dreg:$0x10];
	[sflag:s31] =	ssyncadd.s32 $0xFFFF8000  }
0x10b: {  	[tilespmem:s28], [sflag:$0x3] =	stream.linear.gather [hbm4b:s19+s1], $0x8000, $0x38;
	[tilespmem:$0x18100] =	vst v63  }
0x10c: {  	s20 =	simm.s32 $0x0;
	_ =	swait.ge [sflag:s17], $0x8000  }
0x10d: {  	s4 =	sand.u32 $0x6000, s20;
	[sflag:s17] =	ssyncset.done $0x0  }
0x10e: {  	s21 =	sand.u32 $0x40, s1;
	s1 =	sand.u32 $0x1C00, s1;
	[sflag:s17] =	ssyncadd.s32 $0xFFFF8000  }
0x10f: {  	s22 =	simm.s32 $0x0;
	s1 =	sor.u32 s21, s1;
	_ =	swait.ge [sflag:s29], $0x8000  }
0x110: {  	s23 =	sand.u32 $0x380, s22;
	s1 =	sor.u32 s4, s1;
	[sflag:s29] =	ssyncset.done $0x0  }
0x111: {  	s19 =	sor.u32 s23, s1;
	[sflag:s29] =	ssyncadd.s32 $0xFFFF8000  }
0x112: {  	v6 =	vld [tilespmem:s19+$0x130]  }
0x113: {  	v5 =	vld [tilespmem:s19+$0x100]  }
0x114: {  	s20 =	simm.s32 $0x40;
	v3 =	vld [tilespmem:s19+$0x110]  }
0x115: {  	s22 =	sand.u32 $0x40, s20;
	s7 =	simm.s32 $0x40;
	s1 =	simm.s32 $0x200;
	v4 =	vld [tilespmem:s19+$0x120]  }
0x116: {  	s21 =	simm.s32 $0x8;
	s4 =	simm.s32 $0x2;
	s8 =	sand.u32 $0x1C00, s1  }
.LBB2_10:
0x117: {  	p0 =	sne.s32 s4, $0x1FF;
	s7 =	sand.u32 $0x6000, s7;
	s8 =	sor.u32 s22, s8;
	[tilespmem:s19+$0x8130] =	vst.add.f32.msk $0xffff, v6  }
0x118: {  	s21 =	sand.u32 $0x380, s21;
	s23 =	smov.u32 s19;
	s7 =	sor.u32 s7, s8;
	[tilespmem:s19+$0x8100] =	vst.add.f32.msk $0xffff, v5  }
0x119: {  	s19 =	sor.u32 s21, s7;
	[tilespmem:s23+$0x8110] =	vst.add.f32.msk $0xffff, v3  }
.Ltmp4:
0x11a: {  	v6 =	vld [tilespmem:s19+$0x130];
	v7 =	vmov v4;
	(pc) =	sbr.rel @p0 .LBB2_10-.Ltmp4, $4  }
0x11b: {  	v5 =	vld [tilespmem:s19+$0x100]  }
0x11c: {  	s1 =	sadd.s32 $0x200, s1;
	v3 =	vld [tilespmem:s19+$0x110]  }
0x11d: {  	s20 =	sadd.s32 $0x40, s20;
	s7 =	sshll.u32 s4, $0x6;
	s21 =	sshll.u32 s4, $0x3;
	v4 =	vld [tilespmem:s19+$0x120]  }
0x11e: {  	s22 =	sand.u32 $0x40, s20;
	s8 =	sand.u32 $0x1C00, s1;
	s4 =	sadd.s32 $0x1, s4;
	[tilespmem:s23+$0x8120] =	vst.add.f32.msk $0xffff, v7  }
0x11f: {  	s1 =	sand.u32 $0x6000, s7;
	s4 =	sor.u32 s22, s8;
	[tilespmem:s19+$0x8130] =	vst.add.f32.msk $0xffff, v6  }
0x120: {  	s23 =	sand.u32 $0x380, s21;
	s1 =	sor.u32 s1, s4;
	[tilespmem:s19+$0x8100] =	vst.add.f32.msk $0xffff, v5  }
0x121: {  	s1 =	sor.u32 s23, s1;
	[tilespmem:s19+$0x8110] =	vst.add.f32.msk $0xffff, v3  }
0x122: {  	v3 =	vld [tilespmem:s1+$0x130]  }
0x123: {  	v5 =	vld [tilespmem:s1+$0x100]  }
0x124: {  	v6 =	vld [tilespmem:s1+$0x110]  }
0x125: {  	v7 =	vld [tilespmem:s1+$0x120]  }
0x126: {  	[tilespmem:s19+$0x8120] =	vst.add.f32.msk $0xffff, v4  }
0x127: {  	[tilespmem:s1+$0x8130] =	vst.add.f32.msk $0xffff, v3  }
0x128: {  	[tilespmem:s1+$0x8100] =	vst.add.f32.msk $0xffff, v5  }
0x129: {  	[tilespmem:s1+$0x8110] =	vst.add.f32.msk $0xffff, v6  }
0x12a: {  	s7 =	simm.s32 $0x0;
	s8 =	rddreg [dreg:$0x11];
	[tilespmem:s1+$0x8120] =	vst.add.f32.msk $0xffff, v7  }
0x12b: {  	[hbm4b:s8+s7] =	stream.linear.scatter [tilespmem:s16], [sflag:$0x4], $0x8000, $0x38;
	[tilespmem:$0x18100] =	vst v63  }
0x12c: {  	s20 =	simm.s32 $0x0;
	_ =	swait.ge [sflag:s18], $0x8000  }
0x12d: {  	s22 =	simm.s32 $0x0;
	s21 =	sand.u32 $0x40, s7;
	[sflag:s18] =	ssyncset.done $0x0  }
0x12e: {  	s1 =	sand.u32 $0x1C00, s7;
	s19 =	rddreg [dreg:$0x12];
	[sflag:s18] =	ssyncadd.s32 $0xFFFF8000  }
0x12f: {  	[tilespmem:s16], [sflag:$0x2] =	stream.linear.gather [hbm4b:s19+s7], $0x8000, $0x38;
	[tilespmem:$0x18100] =	vst v63  }
0x130: {  	s4 =	sand.u32 $0x6000, s20;
	s1 =	sor.u32 s21, s1;
	_ =	swait.ge [sflag:s30], $0x8000  }
0x131: {  	s23 =	sand.u32 $0x380, s22;
	s1 =	sor.u32 s4, s1;
	[sflag:s30] =	ssyncset.done $0x0  }
0x132: {  	s19 =	sor.u32 s23, s1;
	[sflag:s30] =	ssyncadd.s32 $0xFFFF8000  }
0x133: {  	v6 =	vld [tilespmem:s19+$0x130]  }
0x134: {  	v5 =	vld [tilespmem:s19+$0x100]  }
0x135: {  	s20 =	simm.s32 $0x40;
	v3 =	vld [tilespmem:s19+$0x110]  }
0x136: {  	s22 =	sand.u32 $0x40, s20;
	s21 =	simm.s32 $0x8;
	s1 =	simm.s32 $0x200;
	v4 =	vld [tilespmem:s19+$0x120]  }
0x137: {  	s4 =	simm.s32 $0x2;
	s7 =	simm.s32 $0x40;
	s8 =	sand.u32 $0x1C00, s1  }
.LBB2_12:
0x138: {  	p0 =	sne.s32 s4, $0x1FF;
	s7 =	sand.u32 $0x6000, s7;
	s8 =	sor.u32 s22, s8;
	[tilespmem:s19+$0x10130] =	vst.add.f32.msk $0xffff, v6  }
0x139: {  	s21 =	sand.u32 $0x380, s21;
	s23 =	smov.u32 s19;
	s7 =	sor.u32 s7, s8;
	[tilespmem:s19+$0x10100] =	vst.add.f32.msk $0xffff, v5  }
0x13a: {  	s19 =	sor.u32 s21, s7;
	[tilespmem:s23+$0x10110] =	vst.add.f32.msk $0xffff, v3  }
.Ltmp5:
0x13b: {  	v6 =	vld [tilespmem:s19+$0x130];
	v7 =	vmov v4;
	(pc) =	sbr.rel @p0 .LBB2_12-.Ltmp5, $4  }
0x13c: {  	v5 =	vld [tilespmem:s19+$0x100]  }
0x13d: {  	s1 =	sadd.s32 $0x200, s1;
	v3 =	vld [tilespmem:s19+$0x110]  }
0x13e: {  	s20 =	sadd.s32 $0x40, s20;
	s7 =	sshll.u32 s4, $0x6;
	s21 =	sshll.u32 s4, $0x3;
	v4 =	vld [tilespmem:s19+$0x120]  }
0x13f: {  	s22 =	sand.u32 $0x40, s20;
	s8 =	sand.u32 $0x1C00, s1;
	s4 =	sadd.s32 $0x1, s4;
	[tilespmem:s23+$0x10120] =	vst.add.f32.msk $0xffff, v7  }
0x140: {  	s1 =	sand.u32 $0x6000, s7;
	s4 =	sor.u32 s22, s8;
	[tilespmem:s19+$0x10130] =	vst.add.f32.msk $0xffff, v6  }
0x141: {  	s23 =	sand.u32 $0x380, s21;
	s1 =	sor.u32 s1, s4;
	[tilespmem:s19+$0x10100] =	vst.add.f32.msk $0xffff, v5  }
0x142: {  	s1 =	sor.u32 s23, s1;
	[tilespmem:s19+$0x10110] =	vst.add.f32.msk $0xffff, v3  }
0x143: {  	v3 =	vld [tilespmem:s1+$0x130]  }
0x144: {  	v5 =	vld [tilespmem:s1+$0x100]  }
0x145: {  	v6 =	vld [tilespmem:s1+$0x110]  }
0x146: {  	v7 =	vld [tilespmem:s1+$0x120]  }
0x147: {  	[tilespmem:s19+$0x10120] =	vst.add.f32.msk $0xffff, v4  }
0x148: {  	[tilespmem:s1+$0x10130] =	vst.add.f32.msk $0xffff, v3  }
0x149: {  	[tilespmem:s1+$0x10100] =	vst.add.f32.msk $0xffff, v5  }
0x14a: {  	[tilespmem:s1+$0x10110] =	vst.add.f32.msk $0xffff, v6  }
0x14b: {  	s7 =	simm.s32 $0x0;
	s8 =	rddreg [dreg:$0x13];
	[tilespmem:s1+$0x10120] =	vst.add.f32.msk $0xffff, v7  }
0x14c: {  	[hbm4b:s8+s7] =	stream.linear.scatter [tilespmem:s28], [sflag:$0x5], $0x8000, $0x38;
	[tilespmem:$0x18100] =	vst v63  }
0x14d: {  	s20 =	simm.s32 $0x0;
	_ =	swait.ge [sflag:s31], $0x8000  }
0x14e: {  	s22 =	simm.s32 $0x0;
	s21 =	sand.u32 $0x40, s7;
	[sflag:s31] =	ssyncset.done $0x0  }
0x14f: {  	s1 =	sand.u32 $0x1C00, s7;
	s19 =	rddreg [dreg:$0x14];
	[sflag:s31] =	ssyncadd.s32 $0xFFFF8000  }
0x150: {  	[tilespmem:s28], [sflag:$0x3] =	stream.linear.gather [hbm4b:s19+s7], $0x8000, $0x38;
	[tilespmem:$0x18100] =	vst v63  }
0x151: {  	s4 =	sand.u32 $0x6000, s20;
	s1 =	sor.u32 s21, s1;
	_ =	swait.ge [sflag:s17], $0x8000  }
0x152: {  	s23 =	sand.u32 $0x380, s22;
	s1 =	sor.u32 s4, s1;
	[sflag:s17] =	ssyncset.done $0x0  }
0x153: {  	s19 =	sor.u32 s23, s1;
	[sflag:s17] =	ssyncadd.s32 $0xFFFF8000  }
0x154: {  	v6 =	vld [tilespmem:s19+$0x130]  }
0x155: {  	v5 =	vld [tilespmem:s19+$0x100]  }
0x156: {  	s20 =	simm.s32 $0x40;
	v3 =	vld [tilespmem:s19+$0x110]  }
0x157: {  	s22 =	sand.u32 $0x40, s20;
	s21 =	simm.s32 $0x8;
	s1 =	simm.s32 $0x200;
	v4 =	vld [tilespmem:s19+$0x120]  }
0x158: {  	s4 =	simm.s32 $0x2;
	s7 =	simm.s32 $0x40;
	s8 =	sand.u32 $0x1C00, s1  }
.LBB2_14:
0x159: {  	p0 =	sne.s32 s4, $0x1FF;
	s7 =	sand.u32 $0x6000, s7;
	s8 =	sor.u32 s22, s8;
	[tilespmem:s19+$0x8130] =	vst.add.f32.msk $0xffff, v6  }
0x15a: {  	s21 =	sand.u32 $0x380, s21;
	s23 =	smov.u32 s19;
	s7 =	sor.u32 s7, s8;
	[tilespmem:s19+$0x8100] =	vst.add.f32.msk $0xffff, v5  }
0x15b: {  	s19 =	sor.u32 s21, s7;
	[tilespmem:s23+$0x8110] =	vst.add.f32.msk $0xffff, v3  }
.Ltmp6:
0x15c: {  	v6 =	vld [tilespmem:s19+$0x130];
	v7 =	vmov v4;
	(pc) =	sbr.rel @p0 .LBB2_14-.Ltmp6, $4  }
0x15d: {  	v5 =	vld [tilespmem:s19+$0x100]  }
0x15e: {  	s1 =	sadd.s32 $0x200, s1;
	v3 =	vld [tilespmem:s19+$0x110]  }
0x15f: {  	s20 =	sadd.s32 $0x40, s20;
	s7 =	sshll.u32 s4, $0x6;
	s21 =	sshll.u32 s4, $0x3;
	v4 =	vld [tilespmem:s19+$0x120]  }
0x160: {  	s22 =	sand.u32 $0x40, s20;
	s8 =	sand.u32 $0x1C00, s1;
	s4 =	sadd.s32 $0x1, s4;
	[tilespmem:s23+$0x8120] =	vst.add.f32.msk $0xffff, v7  }
0x161: {  	s1 =	sand.u32 $0x6000, s7;
	s4 =	sor.u32 s22, s8;
	[tilespmem:s19+$0x8130] =	vst.add.f32.msk $0xffff, v6  }
0x162: {  	s23 =	sand.u32 $0x380, s21;
	s1 =	sor.u32 s1, s4;
	[tilespmem:s19+$0x8100] =	vst.add.f32.msk $0xffff, v5  }
0x163: {  	s1 =	sor.u32 s23, s1;
	[tilespmem:s19+$0x8110] =	vst.add.f32.msk $0xffff, v3  }
0x164: {  	v3 =	vld [tilespmem:s1+$0x130]  }
0x165: {  	v5 =	vld [tilespmem:s1+$0x100]  }
0x166: {  	v6 =	vld [tilespmem:s1+$0x110]  }
0x167: {  	v7 =	vld [tilespmem:s1+$0x120]  }
0x168: {  	[tilespmem:s19+$0x8120] =	vst.add.f32.msk $0xffff, v4  }
0x169: {  	[tilespmem:s1+$0x8130] =	vst.add.f32.msk $0xffff, v3  }
0x16a: {  	[tilespmem:s1+$0x8100] =	vst.add.f32.msk $0xffff, v5  }
0x16b: {  	s8 =	simm.s32 $0x0;
	s20 =	simm.s32 $0x0;
	s22 =	simm.s32 $0x0;
	[tilespmem:s1+$0x8110] =	vst.add.f32.msk $0xffff, v6  }
0x16c: {  	s21 =	sand.u32 $0x40, s8;
	s19 =	rddreg [dreg:$0x15];
	[tilespmem:s1+$0x8120] =	vst.add.f32.msk $0xffff, v7;
	s1 =	sand.u32 $0x1C00, s8  }
0x16d: {  	[hbm4b:s19+s8] =	stream.linear.scatter [tilespmem:s16], [sflag:$0x4], $0x8000, $0x38;
	[tilespmem:$0x18100] =	vst v63  }
0x16e: {  	s4 =	sand.u32 $0x6000, s20;
	s1 =	sor.u32 s21, s1;
	_ =	swait.ge [sflag:s30], $0x8000  }
0x16f: {  	s23 =	sand.u32 $0x380, s22;
	s1 =	sor.u32 s4, s1;
	[sflag:s30] =	ssyncset.done $0x0  }
0x170: {  	s19 =	sor.u32 s23, s1;
	[sflag:s30] =	ssyncadd.s32 $0xFFFF8000  }
0x171: {  	v6 =	vld [tilespmem:s19+$0x130]  }
0x172: {  	v5 =	vld [tilespmem:s19+$0x100]  }
0x173: {  	s20 =	simm.s32 $0x40;
	v3 =	vld [tilespmem:s19+$0x110]  }
0x174: {  	s7 =	simm.s32 $0x40;
	s22 =	sand.u32 $0x40, s20;
	s1 =	simm.s32 $0x200;
	v4 =	vld [tilespmem:s19+$0x120]  }
0x175: {  	s21 =	simm.s32 $0x8;
	s4 =	simm.s32 $0x2;
	s8 =	sand.u32 $0x1C00, s1  }
.LBB2_16:
0x176: {  	p0 =	sne.s32 s4, $0x1FF;
	s7 =	sand.u32 $0x6000, s7;
	s8 =	sor.u32 s22, s8;
	[tilespmem:s19+$0x10130] =	vst.add.f32.msk $0xffff, v6  }
0x177: {  	s21 =	sand.u32 $0x380, s21;
	s23 =	smov.u32 s19;
	s7 =	sor.u32 s7, s8;
	[tilespmem:s19+$0x10100] =	vst.add.f32.msk $0xffff, v5  }
0x178: {  	s19 =	sor.u32 s21, s7;
	[tilespmem:s23+$0x10110] =	vst.add.f32.msk $0xffff, v3  }
.Ltmp7:
0x179: {  	v6 =	vld [tilespmem:s19+$0x130];
	v7 =	vmov v4;
	(pc) =	sbr.rel @p0 .LBB2_16-.Ltmp7, $4  }
0x17a: {  	v5 =	vld [tilespmem:s19+$0x100]  }
0x17b: {  	s1 =	sadd.s32 $0x200, s1;
	v3 =	vld [tilespmem:s19+$0x110]  }
0x17c: {  	s20 =	sadd.s32 $0x40, s20;
	s7 =	sshll.u32 s4, $0x6;
	s21 =	sshll.u32 s4, $0x3;
	v4 =	vld [tilespmem:s19+$0x120]  }
0x17d: {  	s22 =	sand.u32 $0x40, s20;
	s8 =	sand.u32 $0x1C00, s1;
	s4 =	sadd.s32 $0x1, s4;
	[tilespmem:s23+$0x10120] =	vst.add.f32.msk $0xffff, v7  }
0x17e: {  	s1 =	sand.u32 $0x6000, s7;
	s4 =	sor.u32 s22, s8;
	[tilespmem:s19+$0x10130] =	vst.add.f32.msk $0xffff, v6  }
0x17f: {  	s22 =	sand.u32 $0x380, s21;
	s1 =	sor.u32 s1, s4;
	[tilespmem:s19+$0x10100] =	vst.add.f32.msk $0xffff, v5  }
0x180: {  	s1 =	sor.u32 s22, s1;
	[tilespmem:s19+$0x10110] =	vst.add.f32.msk $0xffff, v3  }
0x181: {  	v3 =	vld [tilespmem:s1+$0x130]  }
0x182: {  	v5 =	vld [tilespmem:s1+$0x100]  }
0x183: {  	v6 =	vld [tilespmem:s1+$0x110]  }
0x184: {  	v7 =	vld [tilespmem:s1+$0x120]  }
0x185: {  	[tilespmem:s19+$0x10120] =	vst.add.f32.msk $0xffff, v4  }
0x186: {  	[tilespmem:s1+$0x10130] =	vst.add.f32.msk $0xffff, v3  }
0x187: {  	[tilespmem:s1+$0x10100] =	vst.add.f32.msk $0xffff, v5  }
0x188: {  	[tilespmem:s1+$0x10110] =	vst.add.f32.msk $0xffff, v6  }
0x189: {  	s23 =	rddreg [dreg:$0x16];
	s0 =	sadd.s32 $0x1, s0;
	[tilespmem:s1+$0x10120] =	vst.add.f32.msk $0xffff, v7  }
0x18a: {  	[hbm4b:s23+s3] =	stream.linear.scatter [tilespmem:s28], [sflag:$0x5], $0x8000, $0x38;
	[tilespmem:$0x18100] =	vst v63  }
0x18b: {  	p0 =	sne.s32 s0, s25;
	_ =	swait.ge [sflag:s18], $0x8000  }
.Ltmp8:
0x18c: {  	[sflag:s18] =	ssyncset.done $0x0;
	(pc) =	sbr.rel @p0 .LBB2_1-.Ltmp8, $4  }
0x18d: {  	[sflag:s18] =	ssyncadd.s32 $0xFFFF8000  }
0x18e: {  	_ =	swait.ge [sflag:s31], $0x8000  }
0x18f: {  	[sflag:s31] =	ssyncset.done $0x0  }
0x190: {  	[sflag:s31] =	ssyncadd.s32 $0xFFFF8000  }
0x191: {  	_ =	sfence.sel $0x180000  }
0x192: {  	[bflag:$0x0] =	sbarrier.arrive $0xFFFF  }
0x193: {  	_ =	strace $0x90000047  }
0x194: {  	s0 =	stileid.u32;
	[bflag:$0x2] =	sbarrier.arrive $0xFFFF  }
0x195: {  	p0 =	sne.s32 s0, $0x0;
	s0 =	rddreg [dreg:$0x4]  }
0x196: {  	s0 =	sadd.s32 @!p0 $0x100000, s0  }
0x197: {  	[sflag:s0] =	ssyncadd.tile.s32 @!p0 $0x1;
	_ =	shalt  }
.Lfunc_end2:
_tile_overlayer_lowered:
.L_overlay_start_2:
0x198: {  	(tag) =	ssettag $0x2  }
0x199: {  	s0 =	rddreg [dreg:$0x0];
	s2 =	stileid.u32  }
0x19a: {  	s1 =	rddreg [dreg:$0x1];
	p0 =	sne.s32 s2, $0x0  }
0x19b: {  	s3 =	rddreg [dreg:$0x2];
	[bflag:$0x3] =	sbarrier.arrive $0xFFFF;
	s2 =	simm.s32 @!p0 $0x1C06  }
0x19c: {  	[timem:s3], [sflag:s2] =	dma.local @!p0 [hbm:s0], s1  }
0x19d: {  	s0 =	simm.s32 @!p0 $0x6  }
0x19e: {  	_ =	swait.ge @!p0 [sflag:s0], s1  }
0x19f: {  	s1 =	ssub.s32 @!p0 $0x0, s1;
	[sflag:s0] =	ssyncset.done @!p0 $0x0  }
0x1a0: {  	[sflag:s0] =	ssyncadd.s32 @!p0 s1  }
0x1a1: {  	[bflag:$0x3] =	sbarrier.arrive $0xFFFF  }
0x1a2: {  	_ =	shalt  }

</sc_bundles>
